<compile_context>
chip_gen: v7x
topology: tpu7x:2x2x1
jax: 0.10.2.dev20260603
libtpu: 0.0.44.dev20260713+nightly
codegen_flags: <defaults>
</compile_context>

<pallas_src>
import jax
import jax.numpy as jnp
from jax import lax
from jax.experimental import pallas as pl
from jax.experimental.pallas import tpu as pltpu
from jax.experimental.pallas import tpu_sc as plsc

_N_EMB = 1024
_DIM = 64
_B = 16
_T = 1024
_TOKENS = _B * _T
_BM = 8192
_G = _TOKENS // _BM
_NW = 32
_BPW = _TOKENS // _NW
_CHUNK = 128
_NCH = _BPW // _CHUNK
_LOSS_SCALE = 1.25 / float(_TOKENS * _DIM)


def _dist_argmin_kernel(x_ref, e_ref, idx_ref, loss_ref):
    e = e_ref[...]
    e2 = jnp.sum(e * e, axis=1)[:, None]
    loss_part = None
    for bb in range(_BM // _T):
        xt = x_ref[bb]
        mm = lax.dot_general(e, xt, (((1,), (0,)), ((), ())),
                             preferred_element_type=jnp.float32)
        x2 = jnp.sum(xt * xt, axis=0)[None, :]
        dist = (x2 - 2.0 * mm) + e2
        m = jnp.min(dist, axis=0, keepdims=True)

        ids = lax.broadcasted_iota(jnp.int32, dist.shape, 0).astype(jnp.float32)
        idx = jnp.min(jnp.where(dist == m, ids, jnp.float32(_N_EMB)), axis=0)
        idx_ref[0, 0, bb * _T:(bb + 1) * _T] = idx.astype(jnp.int32)
        s = jnp.sum(m)
        loss_part = s if loss_part is None else loss_part + s

    @pl.when(pl.program_id(0) == 0)
    def _init():
        loss_ref[...] = jnp.zeros((1, 1), jnp.float32)

    loss_ref[...] += loss_part[None, None]

    @pl.when(pl.program_id(0) == pl.num_programs(0) - 1)
    def _finalize():
        loss_ref[...] = loss_ref[...] * _LOSS_SCALE


_dist_call = pl.pallas_call(
    _dist_argmin_kernel,
    grid=(_G,),
    in_specs=[
        pl.BlockSpec((_BM // _T, _DIM, _T), lambda i: (i, 0, 0)),
        pl.BlockSpec((_N_EMB, _DIM), lambda i: (0, 0)),
    ],
    out_specs=[
        pl.BlockSpec((1, 1, _BM), lambda i: (i, 0, 0)),
        pl.BlockSpec((1, 1), lambda i: (0, 0)),
    ],
    out_shape=[
        jax.ShapeDtypeStruct((_G, 1, _BM), jnp.int32),
        jax.ShapeDtypeStruct((1, 1), jnp.float32),
    ],
)


def _gather_body(idx_hbm, table_hbm, out_hbm, idx_v, rows_v, sem):
    wid = lax.axis_index("s") * 2 + lax.axis_index("c")
    pltpu.sync_copy(idx_hbm.at[wid], idx_v)
    copies = [pltpu.async_copy(table_hbm.at[idx_v.at[j]],
                               rows_v.at[pl.ds(j * _CHUNK, _CHUNK)], sem)
              for j in range(_NCH)]
    for c in copies:
        c.wait()
    g, h = wid // 2, wid % 2
    pltpu.sync_copy(rows_v, out_hbm.at[g, pl.ds(h * _BPW, _BPW)])


_gather_call = pl.kernel(
    _gather_body,
    out_type=jax.ShapeDtypeStruct((_B, _T, _DIM), jnp.float32),
    mesh=plsc.VectorSubcoreMesh(core_axis_name="c", subcore_axis_name="s"),
    compiler_params=pltpu.CompilerParams(use_tc_tiling_on_sc=False),
    scratch_types=[
        pltpu.VMEM((_NCH, _CHUNK), jnp.int32),
        pltpu.VMEM((_BPW, _DIM), jnp.float32),
        pltpu.SemaphoreType.DMA,
    ],
)


@jax.jit
def kernel(inputs, embedding):
    idx3, loss = _dist_call(jnp.swapaxes(inputs, 1, 2), embedding)
    indices = idx3.reshape(_TOKENS)
    quantized_st = _gather_call(indices.reshape(_NW, _NCH, _CHUNK), embedding)
    return quantized_st, loss[0, 0], indices

# --- scband reference (transcript-rebuilt; emitter-appended) ---
"""Pipeline reference for scband-vector-quantizer-11072425689459 (READ-ONLY COPY).

The authoritative reference and input builder live on the scoring server;
editing this copy changes nothing except your own understanding.
"""

import jax, jax.numpy as jnp
import numpy as np

NUM_EMBEDDINGS = 1024
EMBEDDING_DIM = 64
COMMITMENT_COST = 0.25


def setup_inputs(seed: int = 0) -> dict:
    key = jax.random.key(seed)
    k1, k2 = jax.random.split(key)
    inputs = jax.random.normal(k1, (16, 1024, 64), dtype=jnp.float32)
    embedding = jax.random.uniform(
        k2, (NUM_EMBEDDINGS, EMBEDDING_DIM), dtype=jnp.float32,
        minval=-1.0 / NUM_EMBEDDINGS, maxval=1.0 / NUM_EMBEDDINGS)
    return {"inputs": inputs, "embedding": embedding}


def reference(inputs, embedding):
    flat_inputs = inputs.reshape(-1, EMBEDDING_DIM)
    distances = (
        jnp.sum(flat_inputs ** 2, axis=1, keepdims=True)
        - 2.0 * jnp.matmul(flat_inputs, embedding.T)
        + jnp.sum(embedding ** 2, axis=1)
    )
    indices = jnp.argmin(distances, axis=1)
    quantized = jnp.take(embedding, indices, axis=0).reshape(inputs.shape)
    e_latent_loss = jnp.mean((jax.lax.stop_gradient(quantized) - inputs) ** 2)
    q_latent_loss = jnp.mean((quantized - jax.lax.stop_gradient(inputs)) ** 2)
    loss = q_latent_loss + COMMITMENT_COST * e_latent_loss
    quantized_st = inputs + jax.lax.stop_gradient(quantized - inputs)
    return quantized_st, loss, indices

if __name__ == "__main__":
    import jax
    _d = setup_inputs()
    print(jax.jit(kernel)(*tuple(_d.values())))

</pallas_src>

<mosaic_0001>
#map = affine_map<(d0, d1) -> (0, 0, 0)>
#map1 = affine_map<(d0, d1) -> (0, 0)>
module attributes {stable_mosaic.version = 14 : i64} {
  func.func @_gather_body(%arg0: i32, %arg1: i32, %arg2: memref<32x4x128xi32, #tpu.memory_space<hbm>>, %arg3: memref<1024x64xf32, #tpu.memory_space<hbm>>, %arg4: memref<16x1024x64xf32, #tpu.memory_space<hbm>>, %arg5: memref<4x128xi32, #tpu.memory_space<vmem>>, %arg6: memref<512x64xf32, #tpu.memory_space<vmem>>, %arg7: memref<!tpu.dma_semaphore, #tpu.memory_space<semaphore_mem>>) attributes {dimension_semantics = [#tpu.dimension_semantics<core_parallel>, #tpu.dimension_semantics<subcore_parallel>], iteration_bounds = array<i64: 2, 16>, scalar_prefetch = 0 : i64, scratch_operands = 3 : i64, tpu.core_type = #tpu.core_type<sc_vector_subcore>, window_params = [{transform_indices = #map}, {transform_indices = #map1}, {transform_indices = #map}]} {
    %mul3A = arith.constant 2 : i32
    %mul3A_0 = arith.muli %arg1, %mul3A : i32
    %add3A = arith.addi %mul3A_0, %arg0 : i32
    "tpu.region"() ({
      %run_scoped3A = tpu.sem_alloc : memref<!tpu.dma_semaphore, #tpu.memory_space<semaphore_mem>>
      %dma_start3A_111 = arith.constant 0 : i32
      %dma_start3A_112 = arith.constant 0 : i32
      %dma_start3A_113 = tpu.memref_slice %arg2[%add3A, %dma_start3A_111, %dma_start3A_112] : memref<32x4x128xi32, #tpu.memory_space<hbm>> -> memref<1x4x128xi32, #tpu.memory_space<hbm>>
      %dma_start3A_114 = tpu.memref_squeeze %dma_start3A_113 : memref<1x4x128xi32, #tpu.memory_space<hbm>> -> memref<4x128xi32, #tpu.memory_space<hbm>>
      %dma_start3A_115 = arith.constant 0 : i32
      %dma_start3A_116 = arith.constant 0 : i32
      %dma_start3A_117 = tpu.memref_slice %arg2[%add3A, %dma_start3A_115, %dma_start3A_116] : memref<32x4x128xi32, #tpu.memory_space<hbm>> -> memref<1x4x128xi32, #tpu.memory_space<hbm>>
      %dma_start3A_118 = tpu.memref_squeeze %dma_start3A_117 : memref<1x4x128xi32, #tpu.memory_space<hbm>> -> memref<4x128xi32, #tpu.memory_space<hbm>>
      tpu.enqueue_dma source(%dma_start3A_118 : memref<4x128xi32, #tpu.memory_space<hbm>>) target(%arg5 : memref<4x128xi32, #tpu.memory_space<vmem>>) target_semaphore(%run_scoped3A : memref<!tpu.dma_semaphore, #tpu.memory_space<semaphore_mem>>)
      %dma_wait3A_119 = arith.constant 0 : i32
      %dma_wait3A_120 = arith.constant 0 : i32
      %dma_wait3A_121 = tpu.memref_slice %arg2[%add3A, %dma_wait3A_119, %dma_wait3A_120] : memref<32x4x128xi32, #tpu.memory_space<hbm>> -> memref<1x4x128xi32, #tpu.memory_space<hbm>>
      %dma_wait3A_122 = tpu.memref_squeeze %dma_wait3A_121 : memref<1x4x128xi32, #tpu.memory_space<hbm>> -> memref<4x128xi32, #tpu.memory_space<hbm>>
      %dma_wait3A_123 = arith.constant 0 : i32
      %dma_wait3A_124 = arith.constant 0 : i32
      %dma_wait3A_125 = tpu.memref_slice %arg2[%add3A, %dma_wait3A_123, %dma_wait3A_124] : memref<32x4x128xi32, #tpu.memory_space<hbm>> -> memref<1x4x128xi32, #tpu.memory_space<hbm>>
      %dma_wait3A_126 = tpu.memref_squeeze %dma_wait3A_125 : memref<1x4x128xi32, #tpu.memory_space<hbm>> -> memref<4x128xi32, #tpu.memory_space<hbm>>
      tpu.wait_dma2 semaphore(%run_scoped3A : memref<!tpu.dma_semaphore, #tpu.memory_space<semaphore_mem>>) src(%dma_wait3A_126 : memref<4x128xi32, #tpu.memory_space<hbm>>) dst(%arg5 : memref<4x128xi32, #tpu.memory_space<vmem>>)
      tpu.yield
    }) : () -> ()
    %dma_start3A = arith.constant 0 : i32
    %dma_start3A_1 = arith.constant 0 : i32
    %dma_start3A_2 = arith.constant 0 : i32
    %dma_start3A_3 = tpu.memref_slice %arg6[%dma_start3A_1, %dma_start3A_2] : memref<512x64xf32, #tpu.memory_space<vmem>> -> memref<128x64xf32, #tpu.memory_space<vmem>>
    %dma_start3A_4 = arith.constant 0 : i32
    %dma_start3A_5 = tpu.memref_slice %arg5[%dma_start3A, %dma_start3A_4] : memref<4x128xi32, #tpu.memory_space<vmem>> -> memref<1x128xi32, #tpu.memory_space<vmem>>
    %dma_start3A_6 = tpu.memref_squeeze %dma_start3A_5 : memref<1x128xi32, #tpu.memory_space<vmem>> -> memref<128xi32, #tpu.memory_space<vmem>>
    %dma_start3A_7 = arith.constant 0 : i32
    %dma_start3A_8 = arith.constant 0 : i32
    %dma_start3A_9 = tpu.memref_slice %arg3[%dma_start3A_7, %dma_start3A_8] : memref<1024x64xf32, #tpu.memory_space<hbm>> -> memref<1024x64xf32, #tpu.memory_space<hbm>>
    tpu.enqueue_indirect_dma source(%dma_start3A_9 : memref<1024x64xf32, #tpu.memory_space<hbm>>) target(%dma_start3A_3 : memref<128x64xf32, #tpu.memory_space<vmem>>) offsets(%dma_start3A_6 : memref<128xi32, #tpu.memory_space<vmem>>) semaphore(%arg7 : memref<!tpu.dma_semaphore, #tpu.memory_space<semaphore_mem>>)
    %dma_start3A_10 = arith.constant 1 : i32
    %dma_start3A_11 = arith.constant 128 : i32
    %dma_start3A_12 = arith.constant 0 : i32
    %dma_start3A_13 = tpu.memref_slice %arg6[%dma_start3A_11, %dma_start3A_12] : memref<512x64xf32, #tpu.memory_space<vmem>> -> memref<128x64xf32, #tpu.memory_space<vmem>>
    %dma_start3A_14 = arith.constant 0 : i32
    %dma_start3A_15 = tpu.memref_slice %arg5[%dma_start3A_10, %dma_start3A_14] : memref<4x128xi32, #tpu.memory_space<vmem>> -> memref<1x128xi32, #tpu.memory_space<vmem>>
    %dma_start3A_16 = tpu.memref_squeeze %dma_start3A_15 : memref<1x128xi32, #tpu.memory_space<vmem>> -> memref<128xi32, #tpu.memory_space<vmem>>
    %dma_start3A_17 = arith.constant 0 : i32
    %dma_start3A_18 = arith.constant 0 : i32
    %dma_start3A_19 = tpu.memref_slice %arg3[%dma_start3A_17, %dma_start3A_18] : memref<1024x64xf32, #tpu.memory_space<hbm>> -> memref<1024x64xf32, #tpu.memory_space<hbm>>
    tpu.enqueue_indirect_dma source(%dma_start3A_19 : memref<1024x64xf32, #tpu.memory_space<hbm>>) target(%dma_start3A_13 : memref<128x64xf32, #tpu.memory_space<vmem>>) offsets(%dma_start3A_16 : memref<128xi32, #tpu.memory_space<vmem>>) semaphore(%arg7 : memref<!tpu.dma_semaphore, #tpu.memory_space<semaphore_mem>>)
    %dma_start3A_20 = arith.constant 2 : i32
    %dma_start3A_21 = arith.constant 256 : i32
    %dma_start3A_22 = arith.constant 0 : i32
    %dma_start3A_23 = tpu.memref_slice %arg6[%dma_start3A_21, %dma_start3A_22] : memref<512x64xf32, #tpu.memory_space<vmem>> -> memref<128x64xf32, #tpu.memory_space<vmem>>
    %dma_start3A_24 = arith.constant 0 : i32
    %dma_start3A_25 = tpu.memref_slice %arg5[%dma_start3A_20, %dma_start3A_24] : memref<4x128xi32, #tpu.memory_space<vmem>> -> memref<1x128xi32, #tpu.memory_space<vmem>>
    %dma_start3A_26 = tpu.memref_squeeze %dma_start3A_25 : memref<1x128xi32, #tpu.memory_space<vmem>> -> memref<128xi32, #tpu.memory_space<vmem>>
    %dma_start3A_27 = arith.constant 0 : i32
    %dma_start3A_28 = arith.constant 0 : i32
    %dma_start3A_29 = tpu.memref_slice %arg3[%dma_start3A_27, %dma_start3A_28] : memref<1024x64xf32, #tpu.memory_space<hbm>> -> memref<1024x64xf32, #tpu.memory_space<hbm>>
    tpu.enqueue_indirect_dma source(%dma_start3A_29 : memref<1024x64xf32, #tpu.memory_space<hbm>>) target(%dma_start3A_23 : memref<128x64xf32, #tpu.memory_space<vmem>>) offsets(%dma_start3A_26 : memref<128xi32, #tpu.memory_space<vmem>>) semaphore(%arg7 : memref<!tpu.dma_semaphore, #tpu.memory_space<semaphore_mem>>)
    %dma_start3A_30 = arith.constant 3 : i32
    %dma_start3A_31 = arith.constant 384 : i32
    %dma_start3A_32 = arith.constant 0 : i32
    %dma_start3A_33 = tpu.memref_slice %arg6[%dma_start3A_31, %dma_start3A_32] : memref<512x64xf32, #tpu.memory_space<vmem>> -> memref<128x64xf32, #tpu.memory_space<vmem>>
    %dma_start3A_34 = arith.constant 0 : i32
    %dma_start3A_35 = tpu.memref_slice %arg5[%dma_start3A_30, %dma_start3A_34] : memref<4x128xi32, #tpu.memory_space<vmem>> -> memref<1x128xi32, #tpu.memory_space<vmem>>
    %dma_start3A_36 = tpu.memref_squeeze %dma_start3A_35 : memref<1x128xi32, #tpu.memory_space<vmem>> -> memref<128xi32, #tpu.memory_space<vmem>>
    %dma_start3A_37 = arith.constant 0 : i32
    %dma_start3A_38 = arith.constant 0 : i32
    %dma_start3A_39 = tpu.memref_slice %arg3[%dma_start3A_37, %dma_start3A_38] : memref<1024x64xf32, #tpu.memory_space<hbm>> -> memref<1024x64xf32, #tpu.memory_space<hbm>>
    tpu.enqueue_indirect_dma source(%dma_start3A_39 : memref<1024x64xf32, #tpu.memory_space<hbm>>) target(%dma_start3A_33 : memref<128x64xf32, #tpu.memory_space<vmem>>) offsets(%dma_start3A_36 : memref<128xi32, #tpu.memory_space<vmem>>) semaphore(%arg7 : memref<!tpu.dma_semaphore, #tpu.memory_space<semaphore_mem>>)
    %dma_wait3A = arith.constant 0 : i32
    %dma_wait3A_40 = arith.constant 0 : i32
    %dma_wait3A_41 = arith.constant 0 : i32
    %dma_wait3A_42 = tpu.memref_slice %arg6[%dma_wait3A_40, %dma_wait3A_41] : memref<512x64xf32, #tpu.memory_space<vmem>> -> memref<128x64xf32, #tpu.memory_space<vmem>>
    %dma_wait3A_43 = arith.constant 0 : i32
    %dma_wait3A_44 = tpu.memref_slice %arg5[%dma_wait3A, %dma_wait3A_43] : memref<4x128xi32, #tpu.memory_space<vmem>> -> memref<1x128xi32, #tpu.memory_space<vmem>>
    %dma_wait3A_45 = tpu.memref_squeeze %dma_wait3A_44 : memref<1x128xi32, #tpu.memory_space<vmem>> -> memref<128xi32, #tpu.memory_space<vmem>>
    %dma_wait3A_46 = arith.constant 0 : i32
    %dma_wait3A_47 = arith.constant 0 : i32
    %dma_wait3A_48 = tpu.memref_slice %arg3[%dma_wait3A_46, %dma_wait3A_47] : memref<1024x64xf32, #tpu.memory_space<hbm>> -> memref<1024x64xf32, #tpu.memory_space<hbm>>
    tpu.wait_indirect_dma semaphore(%arg7 : memref<!tpu.dma_semaphore, #tpu.memory_space<semaphore_mem>>) src(%dma_wait3A_48 : memref<1024x64xf32, #tpu.memory_space<hbm>>) dst(%dma_wait3A_42 : memref<128x64xf32, #tpu.memory_space<vmem>>)
    %dma_wait3A_49 = arith.constant 1 : i32
    %dma_wait3A_50 = arith.constant 128 : i32
    %dma_wait3A_51 = arith.constant 0 : i32
    %dma_wait3A_52 = tpu.memref_slice %arg6[%dma_wait3A_50, %dma_wait3A_51] : memref<512x64xf32, #tpu.memory_space<vmem>> -> memref<128x64xf32, #tpu.memory_space<vmem>>
    %dma_wait3A_53 = arith.constant 0 : i32
    %dma_wait3A_54 = tpu.memref_slice %arg5[%dma_wait3A_49, %dma_wait3A_53] : memref<4x128xi32, #tpu.memory_space<vmem>> -> memref<1x128xi32, #tpu.memory_space<vmem>>
    %dma_wait3A_55 = tpu.memref_squeeze %dma_wait3A_54 : memref<1x128xi32, #tpu.memory_space<vmem>> -> memref<128xi32, #tpu.memory_space<vmem>>
    %dma_wait3A_56 = arith.constant 0 : i32
    %dma_wait3A_57 = arith.constant 0 : i32
    %dma_wait3A_58 = tpu.memref_slice %arg3[%dma_wait3A_56, %dma_wait3A_57] : memref<1024x64xf32, #tpu.memory_space<hbm>> -> memref<1024x64xf32, #tpu.memory_space<hbm>>
    tpu.wait_indirect_dma semaphore(%arg7 : memref<!tpu.dma_semaphore, #tpu.memory_space<semaphore_mem>>) src(%dma_wait3A_58 : memref<1024x64xf32, #tpu.memory_space<hbm>>) dst(%dma_wait3A_52 : memref<128x64xf32, #tpu.memory_space<vmem>>)
    %dma_wait3A_59 = arith.constant 2 : i32
    %dma_wait3A_60 = arith.constant 256 : i32
    %dma_wait3A_61 = arith.constant 0 : i32
    %dma_wait3A_62 = tpu.memref_slice %arg6[%dma_wait3A_60, %dma_wait3A_61] : memref<512x64xf32, #tpu.memory_space<vmem>> -> memref<128x64xf32, #tpu.memory_space<vmem>>
    %dma_wait3A_63 = arith.constant 0 : i32
    %dma_wait3A_64 = tpu.memref_slice %arg5[%dma_wait3A_59, %dma_wait3A_63] : memref<4x128xi32, #tpu.memory_space<vmem>> -> memref<1x128xi32, #tpu.memory_space<vmem>>
    %dma_wait3A_65 = tpu.memref_squeeze %dma_wait3A_64 : memref<1x128xi32, #tpu.memory_space<vmem>> -> memref<128xi32, #tpu.memory_space<vmem>>
    %dma_wait3A_66 = arith.constant 0 : i32
    %dma_wait3A_67 = arith.constant 0 : i32
    %dma_wait3A_68 = tpu.memref_slice %arg3[%dma_wait3A_66, %dma_wait3A_67] : memref<1024x64xf32, #tpu.memory_space<hbm>> -> memref<1024x64xf32, #tpu.memory_space<hbm>>
    tpu.wait_indirect_dma semaphore(%arg7 : memref<!tpu.dma_semaphore, #tpu.memory_space<semaphore_mem>>) src(%dma_wait3A_68 : memref<1024x64xf32, #tpu.memory_space<hbm>>) dst(%dma_wait3A_62 : memref<128x64xf32, #tpu.memory_space<vmem>>)
    %dma_wait3A_69 = arith.constant 3 : i32
    %dma_wait3A_70 = arith.constant 384 : i32
    %dma_wait3A_71 = arith.constant 0 : i32
    %dma_wait3A_72 = tpu.memref_slice %arg6[%dma_wait3A_70, %dma_wait3A_71] : memref<512x64xf32, #tpu.memory_space<vmem>> -> memref<128x64xf32, #tpu.memory_space<vmem>>
    %dma_wait3A_73 = arith.constant 0 : i32
    %dma_wait3A_74 = tpu.memref_slice %arg5[%dma_wait3A_69, %dma_wait3A_73] : memref<4x128xi32, #tpu.memory_space<vmem>> -> memref<1x128xi32, #tpu.memory_space<vmem>>
    %dma_wait3A_75 = tpu.memref_squeeze %dma_wait3A_74 : memref<1x128xi32, #tpu.memory_space<vmem>> -> memref<128xi32, #tpu.memory_space<vmem>>
    %dma_wait3A_76 = arith.constant 0 : i32
    %dma_wait3A_77 = arith.constant 0 : i32
    %dma_wait3A_78 = tpu.memref_slice %arg3[%dma_wait3A_76, %dma_wait3A_77] : memref<1024x64xf32, #tpu.memory_space<hbm>> -> memref<1024x64xf32, #tpu.memory_space<hbm>>
    tpu.wait_indirect_dma semaphore(%arg7 : memref<!tpu.dma_semaphore, #tpu.memory_space<semaphore_mem>>) src(%dma_wait3A_78 : memref<1024x64xf32, #tpu.memory_space<hbm>>) dst(%dma_wait3A_72 : memref<128x64xf32, #tpu.memory_space<vmem>>)
    %jit3A = arith.constant 2 : i32
    %div3A = arith.divsi %add3A, %jit3A : i32
    %sign3A = arith.constant 0 : i32
    %sign3A_79 = arith.cmpi sgt, %add3A, %sign3A : i32
    %sign3A_80 = arith.extui %sign3A_79 : i1 to i32
    %sign3A_81 = arith.constant 0 : i32
    %sign3A_82 = arith.cmpi slt, %add3A, %sign3A_81 : i32
    %sign3A_83 = arith.extui %sign3A_82 : i1 to i32
    %sign3A_84 = arith.subi %sign3A_80, %sign3A_83 : i32
    %sign3A_85 = arith.constant 0 : i32
    %sign3A_86 = arith.cmpi sgt, %jit3A, %sign3A_85 : i32
    %sign3A_87 = arith.extui %sign3A_86 : i1 to i32
    %sign3A_88 = arith.constant 0 : i32
    %sign3A_89 = arith.cmpi slt, %jit3A, %sign3A_88 : i32
    %sign3A_90 = arith.extui %sign3A_89 : i1 to i32
    %sign3A_91 = arith.subi %sign3A_87, %sign3A_90 : i32
    %ne3A = arith.cmpi ne, %sign3A_84, %sign3A_91 : i32
    %rem3A = arith.remsi %add3A, %jit3A : i32
    %ne3A_92 = arith.constant 0 : i32
    %ne3A_93 = arith.cmpi ne, %rem3A, %ne3A_92 : i32
    %and3A = arith.andi %ne3A, %ne3A_93 : i1
    %sub3A = arith.constant 1 : i32
    %sub3A_94 = arith.subi %div3A, %sub3A : i32
    %select_n3A = arith.select %and3A, %sub3A_94, %div3A : i32
    %jit3A_95 = arith.constant 2 : i32
    %eq3A = arith.constant 0 : i32
    %eq3A_96 = arith.cmpi eq, %jit3A_95, %eq3A : i32
    %jit3A_97 = arith.constant 1 : i32
    %select_n3A_98 = arith.select %eq3A_96, %jit3A_97, %jit3A_95 : i32
    %rem3A_99 = arith.remsi %add3A, %select_n3A_98 : i32
    %ne3A_100 = arith.constant 0 : i32
    %ne3A_101 = arith.cmpi ne, %rem3A_99, %ne3A_100 : i32
    %lt3A = arith.constant 0 : i32
    %lt3A_102 = arith.cmpi slt, %rem3A_99, %lt3A : i32
    %lt3A_103 = arith.constant 0 : i32
    %lt3A_104 = arith.cmpi slt, %select_n3A_98, %lt3A_103 : i32
    %ne3A_105 = arith.xori %lt3A_102, %lt3A_104 : i1
    %and3A_106 = arith.andi %ne3A_105, %ne3A_101 : i1
    %add3A_107 = arith.addi %rem3A_99, %select_n3A_98 : i32
    %select_n3A_108 = arith.select %and3A_106, %add3A_107, %rem3A_99 : i32
    %mul3A_109 = arith.constant 512 : i32
    %mul3A_110 = arith.muli %select_n3A_108, %mul3A_109 : i32
    "tpu.region"() ({
      %run_scoped3A = tpu.sem_alloc : memref<!tpu.dma_semaphore, #tpu.memory_space<semaphore_mem>>
      %dma_start3A_111 = arith.constant 0 : i32
      %dma_start3A_112 = tpu.memref_slice %arg4[%select_n3A, %mul3A_110, %dma_start3A_111] : memref<16x1024x64xf32, #tpu.memory_space<hbm>> -> memref<1x512x64xf32, #tpu.memory_space<hbm>>
      %dma_start3A_113 = tpu.memref_squeeze %dma_start3A_112 : memref<1x512x64xf32, #tpu.memory_space<hbm>> -> memref<512x64xf32, #tpu.memory_space<hbm>>
      %dma_start3A_114 = arith.constant 0 : i32
      %dma_start3A_115 = tpu.memref_slice %arg4[%select_n3A, %mul3A_110, %dma_start3A_114] : memref<16x1024x64xf32, #tpu.memory_space<hbm>> -> memref<1x512x64xf32, #tpu.memory_space<hbm>>
      %dma_start3A_116 = tpu.memref_squeeze %dma_start3A_115 : memref<1x512x64xf32, #tpu.memory_space<hbm>> -> memref<512x64xf32, #tpu.memory_space<hbm>>
      tpu.enqueue_dma source(%arg6 : memref<512x64xf32, #tpu.memory_space<vmem>>) target(%dma_start3A_116 : memref<512x64xf32, #tpu.memory_space<hbm>>) target_semaphore(%run_scoped3A : memref<!tpu.dma_semaphore, #tpu.memory_space<semaphore_mem>>)
      %dma_wait3A_117 = arith.constant 0 : i32
      %dma_wait3A_118 = tpu.memref_slice %arg4[%select_n3A, %mul3A_110, %dma_wait3A_117] : memref<16x1024x64xf32, #tpu.memory_space<hbm>> -> memref<1x512x64xf32, #tpu.memory_space<hbm>>
      %dma_wait3A_119 = tpu.memref_squeeze %dma_wait3A_118 : memref<1x512x64xf32, #tpu.memory_space<hbm>> -> memref<512x64xf32, #tpu.memory_space<hbm>>
      %dma_wait3A_120 = arith.constant 0 : i32
      %dma_wait3A_121 = tpu.memref_slice %arg4[%select_n3A, %mul3A_110, %dma_wait3A_120] : memref<16x1024x64xf32, #tpu.memory_space<hbm>> -> memref<1x512x64xf32, #tpu.memory_space<hbm>>
      %dma_wait3A_122 = tpu.memref_squeeze %dma_wait3A_121 : memref<1x512x64xf32, #tpu.memory_space<hbm>> -> memref<512x64xf32, #tpu.memory_space<hbm>>
      tpu.wait_dma2 semaphore(%run_scoped3A : memref<!tpu.dma_semaphore, #tpu.memory_space<semaphore_mem>>) src(%arg6 : memref<512x64xf32, #tpu.memory_space<vmem>>) dst(%dma_wait3A_122 : memref<512x64xf32, #tpu.memory_space<hbm>>)
      tpu.yield
    }) : () -> ()
    return
  }
}

module attributes {stable_mosaic.version = 14 : i64} {
  func.func @_dist_argmin_kernel(%arg0: i32, %arg1: memref<8x64x1024xf32, #tpu.memory_space<vmem>>, %arg2: memref<1024x64xf32, #tpu.memory_space<vmem>>, %arg3: memref<1x1x8192xi32, #tpu.memory_space<vmem>>, %arg4: memref<1x1xf32, #tpu.memory_space<vmem>>) attributes {dimension_semantics = [#tpu.dimension_semantics<arbitrary>], iteration_bounds = array<i64: 2>, scalar_prefetch = 0 : i64, scratch_operands = 0 : i64, tpu.core_type = #tpu.core_type<tc>, window_params = [{transform_indices = @transform_0, window_bounds = array<i64: 8, 64, 1024>}, {pipeline_mode = #tpu.pipeline_mode<synchronous>, transform_indices = @transform_1, window_bounds = array<i64: 1024, 64>}, {transform_indices = @transform_2, window_bounds = array<i64: 1, 1, 8192>}, {pipeline_mode = #tpu.pipeline_mode<synchronous>, transform_indices = @transform_3, window_bounds = array<i64: 1, 1>}]} {
    %get3A = arith.constant 0 : index
    %get3A_0 = arith.constant 0 : index
    %get3A_1 = vector.load %arg2[%get3A, %get3A_0] : memref<1024x64xf32, #tpu.memory_space<vmem>>, vector<1024x64xf32>
    %mul3A = arith.mulf %get3A_1, %get3A_1 : vector<1024x64xf32>
    %reduce_sum3A = arith.constant dense<0.000000e+00> : vector<1024xf32>
    %reduce_sum3A_2 = vector.multi_reduction <add>, %mul3A, %reduce_sum3A [1] : vector<1024x64xf32> to vector<1024xf32>
    %broadcast_in_dim3A = vector.shape_cast %reduce_sum3A_2 : vector<1024xf32> to vector<1024x1xf32>
    %get3A_3 = arith.constant 0 : index
    %get3A_4 = arith.constant 0 : index
    %get3A_5 = arith.constant 0 : index
    %get3A_6 = vector.load %arg1[%get3A_3, %get3A_4, %get3A_5] : memref<8x64x1024xf32, #tpu.memory_space<vmem>>, vector<1x64x1024xf32>
    %get3A_7 = vector.shape_cast %get3A_6 : vector<1x64x1024xf32> to vector<64x1024xf32>
    %dot_general3A = arith.constant dense<0.000000e+00> : vector<1024x1024xf32>
    %dot_general3A_8 = tpu.matmul %get3A_1, %get3A_7, %dot_general3A {dimension_numbers = #tpu.dot_dimension_numbers<[1], [0], [0], [1], [0, 0, 1, 1], [], []>, transpose_lhs_hint = false} : vector<1024x64xf32>, vector<64x1024xf32>, vector<1024x1024xf32> -> vector<1024x1024xf32>
    %mul3A_9 = arith.mulf %get3A_7, %get3A_7 : vector<64x1024xf32>
    %reduce_sum3A_10 = arith.constant dense<0.000000e+00> : vector<1024xf32>
    %reduce_sum3A_11 = vector.multi_reduction <add>, %mul3A_9, %reduce_sum3A_10 [0] : vector<64x1024xf32> to vector<1024xf32>
    %broadcast_in_dim3A_12 = vector.shape_cast %reduce_sum3A_11 : vector<1024xf32> to vector<1x1024xf32>
    %mul3A_13 = arith.constant 2.000000e+00 : f32
    %mul3A_14 = vector.broadcast %mul3A_13 : f32 to vector<1024x1024xf32>
    %mul3A_15 = arith.mulf %mul3A_14, %dot_general3A_8 : vector<1024x1024xf32>
    %sub3A = vector.broadcast %broadcast_in_dim3A_12 : vector<1x1024xf32> to vector<1024x1024xf32>
    %sub3A_16 = arith.subf %sub3A, %mul3A_15 : vector<1024x1024xf32>
    %add3A = vector.broadcast %broadcast_in_dim3A : vector<1024x1xf32> to vector<1024x1024xf32>
    %add3A_17 = arith.addf %sub3A_16, %add3A : vector<1024x1024xf32>
    %reduce_min3A = arith.constant dense<0x7F800000> : vector<1024xf32>
    %reduce_min3A_18 = vector.multi_reduction <minimumf>, %add3A_17, %reduce_min3A [0] : vector<1024x1024xf32> to vector<1024xf32>
    %broadcast_in_dim3A_19 = vector.shape_cast %reduce_min3A_18 : vector<1024xf32> to vector<1x1024xf32>
    %iota3A = tpu.iota {dimensions = array<i32: 0>} : vector<1024x1024xi32>
    %convert_element_type3A = arith.sitofp %iota3A : vector<1024x1024xi32> to vector<1024x1024xf32>
    %eq3A = vector.broadcast %broadcast_in_dim3A_19 : vector<1x1024xf32> to vector<1024x1024xf32>
    %eq3A_20 = arith.cmpf oeq, %add3A_17, %eq3A : vector<1024x1024xf32>
    %jit3A = arith.constant 1.024000e+03 : f32
    %broadcast_in_dim3A_21 = vector.broadcast %jit3A : f32 to vector<1024x1024xf32>
    %select_n3A = arith.select %eq3A_20, %convert_element_type3A, %broadcast_in_dim3A_21 : vector<1024x1024xi1>, vector<1024x1024xf32>
    %reduce_min3A_22 = arith.constant dense<0x7F800000> : vector<1024xf32>
    %reduce_min3A_23 = vector.multi_reduction <minimumf>, %select_n3A, %reduce_min3A_22 [0] : vector<1024x1024xf32> to vector<1024xf32>
    %convert_element_type3A_24 = arith.fptosi %reduce_min3A_23 : vector<1024xf32> to vector<1024xi32>
    %swap3A = arith.constant 0 : index
    %swap3A_25 = arith.constant 0 : index
    %swap3A_26 = arith.constant 0 : index
    %swap3A_27 = vector.load %arg3[%swap3A, %swap3A_25, %swap3A_26] : memref<1x1x8192xi32, #tpu.memory_space<vmem>>, vector<1x1x1024xi32>
    %swap3A_28 = vector.shape_cast %swap3A_27 : vector<1x1x1024xi32> to vector<1024xi32>
    %swap3A_29 = vector.shape_cast %convert_element_type3A_24 : vector<1024xi32> to vector<1x1x1024xi32>
    tpu.vector_store %arg3[%swap3A, %swap3A_25, %swap3A_26], %swap3A_29 {strides = array<i32>} : memref<1x1x8192xi32, #tpu.memory_space<vmem>>, vector<1x1x1024xi32>,
    %reduce_sum3A_30 = vector.shape_cast %broadcast_in_dim3A_19 : vector<1x1024xf32> to vector<1x1x1024xf32>
    %reduce_sum3A_31 = arith.constant dense<0.000000e+00> : vector<1xf32>
    %reduce_sum3A_32 = vector.multi_reduction <add>, %reduce_sum3A_30, %reduce_sum3A_31 [1, 2] : vector<1x1x1024xf32> to vector<1xf32>
    %reduce_sum3A_33 = vector.shape_cast %reduce_sum3A_32 : vector<1xf32> to vector<1x1x1xf32>
    %reduce_sum3A_34 = vector.extract %reduce_sum3A_33[0, 0, 0] : f32 from vector<1x1x1xf32>
    %get3A_35 = arith.constant 1 : index
    %get3A_36 = arith.constant 0 : index
    %get3A_37 = arith.constant 0 : index
    %get3A_38 = vector.load %arg1[%get3A_35, %get3A_36, %get3A_37] : memref<8x64x1024xf32, #tpu.memory_space<vmem>>, vector<1x64x1024xf32>
    %get3A_39 = vector.shape_cast %get3A_38 : vector<1x64x1024xf32> to vector<64x1024xf32>
    %dot_general3A_40 = arith.constant dense<0.000000e+00> : vector<1024x1024xf32>
    %dot_general3A_41 = tpu.matmul %get3A_1, %get3A_39, %dot_general3A_40 {dimension_numbers = #tpu.dot_dimension_numbers<[1], [0], [0], [1], [0, 0, 1, 1], [], []>, transpose_lhs_hint = false} : vector<1024x64xf32>, vector<64x1024xf32>, vector<1024x1024xf32> -> vector<1024x1024xf32>
    %mul3A_42 = arith.mulf %get3A_39, %get3A_39 : vector<64x1024xf32>
    %reduce_sum3A_43 = arith.constant dense<0.000000e+00> : vector<1024xf32>
    %reduce_sum3A_44 = vector.multi_reduction <add>, %mul3A_42, %reduce_sum3A_43 [0] : vector<64x1024xf32> to vector<1024xf32>
    %broadcast_in_dim3A_45 = vector.shape_cast %reduce_sum3A_44 : vector<1024xf32> to vector<1x1024xf32>
    %mul3A_46 = arith.constant 2.000000e+00 : f32
    %mul3A_47 = vector.broadcast %mul3A_46 : f32 to vector<1024x1024xf32>
    %mul3A_48 = arith.mulf %mul3A_47, %dot_general3A_41 : vector<1024x1024xf32>
    %sub3A_49 = vector.broadcast %broadcast_in_dim3A_45 : vector<1x1024xf32> to vector<1024x1024xf32>
    %sub3A_50 = arith.subf %sub3A_49, %mul3A_48 : vector<1024x1024xf32>
    %add3A_51 = vector.broadcast %broadcast_in_dim3A : vector<1024x1xf32> to vector<1024x1024xf32>
    %add3A_52 = arith.addf %sub3A_50, %add3A_51 : vector<1024x1024xf32>
    %reduce_min3A_53 = arith.constant dense<0x7F800000> : vector<1024xf32>
    %reduce_min3A_54 = vector.multi_reduction <minimumf>, %add3A_52, %reduce_min3A_53 [0] : vector<1024x1024xf32> to vector<1024xf32>
    %broadcast_in_dim3A_55 = vector.shape_cast %reduce_min3A_54 : vector<1024xf32> to vector<1x1024xf32>
    %iota3A_56 = tpu.iota {dimensions = array<i32: 0>} : vector<1024x1024xi32>
    %convert_element_type3A_57 = arith.sitofp %iota3A_56 : vector<1024x1024xi32> to vector<1024x1024xf32>
    %eq3A_58 = vector.broadcast %broadcast_in_dim3A_55 : vector<1x1024xf32> to vector<1024x1024xf32>
    %eq3A_59 = arith.cmpf oeq, %add3A_52, %eq3A_58 : vector<1024x1024xf32>
    %jit3A_60 = arith.constant 1.024000e+03 : f32
    %broadcast_in_dim3A_61 = vector.broadcast %jit3A_60 : f32 to vector<1024x1024xf32>
    %select_n3A_62 = arith.select %eq3A_59, %convert_element_type3A_57, %broadcast_in_dim3A_61 : vector<1024x1024xi1>, vector<1024x1024xf32>
    %reduce_min3A_63 = arith.constant dense<0x7F800000> : vector<1024xf32>
    %reduce_min3A_64 = vector.multi_reduction <minimumf>, %select_n3A_62, %reduce_min3A_63 [0] : vector<1024x1024xf32> to vector<1024xf32>
    %convert_element_type3A_65 = arith.fptosi %reduce_min3A_64 : vector<1024xf32> to vector<1024xi32>
    %swap3A_66 = arith.constant 0 : index
    %swap3A_67 = arith.constant 0 : index
    %swap3A_68 = arith.constant 1024 : index
    %swap3A_69 = vector.load %arg3[%swap3A_66, %swap3A_67, %swap3A_68] : memref<1x1x8192xi32, #tpu.memory_space<vmem>>, vector<1x1x1024xi32>
    %swap3A_70 = vector.shape_cast %swap3A_69 : vector<1x1x1024xi32> to vector<1024xi32>
    %swap3A_71 = vector.shape_cast %convert_element_type3A_65 : vector<1024xi32> to vector<1x1x1024xi32>
    tpu.vector_store %arg3[%swap3A_66, %swap3A_67, %swap3A_68], %swap3A_71 {strides = array<i32>} : memref<1x1x8192xi32, #tpu.memory_space<vmem>>, vector<1x1x1024xi32>,
    %reduce_sum3A_72 = vector.shape_cast %broadcast_in_dim3A_55 : vector<1x1024xf32> to vector<1x1x1024xf32>
    %reduce_sum3A_73 = arith.constant dense<0.000000e+00> : vector<1xf32>
    %reduce_sum3A_74 = vector.multi_reduction <add>, %reduce_sum3A_72, %reduce_sum3A_73 [1, 2] : vector<1x1x1024xf32> to vector<1xf32>
    %reduce_sum3A_75 = vector.shape_cast %reduce_sum3A_74 : vector<1xf32> to vector<1x1x1xf32>
    %reduce_sum3A_76 = vector.extract %reduce_sum3A_75[0, 0, 0] : f32 from vector<1x1x1xf32>
    %add3A_77 = arith.addf %reduce_sum3A_34, %reduce_sum3A_76 : f32
    %get3A_78 = arith.constant 2 : index
    %get3A_79 = arith.constant 0 : index
    %get3A_80 = arith.constant 0 : index
    %get3A_81 = vector.load %arg1[%get3A_78, %get3A_79, %get3A_80] : memref<8x64x1024xf32, #tpu.memory_space<vmem>>, vector<1x64x1024xf32>
    %get3A_82 = vector.shape_cast %get3A_81 : vector<1x64x1024xf32> to vector<64x1024xf32>
    %dot_general3A_83 = arith.constant dense<0.000000e+00> : vector<1024x1024xf32>
    %dot_general3A_84 = tpu.matmul %get3A_1, %get3A_82, %dot_general3A_83 {dimension_numbers = #tpu.dot_dimension_numbers<[1], [0], [0], [1], [0, 0, 1, 1], [], []>, transpose_lhs_hint = false} : vector<1024x64xf32>, vector<64x1024xf32>, vector<1024x1024xf32> -> vector<1024x1024xf32>
    %mul3A_85 = arith.mulf %get3A_82, %get3A_82 : vector<64x1024xf32>
    %reduce_sum3A_86 = arith.constant dense<0.000000e+00> : vector<1024xf32>
    %reduce_sum3A_87 = vector.multi_reduction <add>, %mul3A_85, %reduce_sum3A_86 [0] : vector<64x1024xf32> to vector<1024xf32>
    %broadcast_in_dim3A_88 = vector.shape_cast %reduce_sum3A_87 : vector<1024xf32> to vector<1x1024xf32>
    %mul3A_89 = arith.constant 2.000000e+00 : f32
    %mul3A_90 = vector.broadcast %mul3A_89 : f32 to vector<1024x1024xf32>
    %mul3A_91 = arith.mulf %mul3A_90, %dot_general3A_84 : vector<1024x1024xf32>
    %sub3A_92 = vector.broadcast %broadcast_in_dim3A_88 : vector<1x1024xf32> to vector<1024x1024xf32>
    %sub3A_93 = arith.subf %sub3A_92, %mul3A_91 : vector<1024x1024xf32>
    %add3A_94 = vector.broadcast %broadcast_in_dim3A : vector<1024x1xf32> to vector<1024x1024xf32>
    %add3A_95 = arith.addf %sub3A_93, %add3A_94 : vector<1024x1024xf32>
    %reduce_min3A_96 = arith.constant dense<0x7F800000> : vector<1024xf32>
    %reduce_min3A_97 = vector.multi_reduction <minimumf>, %add3A_95, %reduce_min3A_96 [0] : vector<1024x1024xf32> to vector<1024xf32>
    %broadcast_in_dim3A_98 = vector.shape_cast %reduce_min3A_97 : vector<1024xf32> to vector<1x1024xf32>
    %iota3A_99 = tpu.iota {dimensions = array<i32: 0>} : vector<1024x1024xi32>
    %convert_element_type3A_100 = arith.sitofp %iota3A_99 : vector<1024x1024xi32> to vector<1024x1024xf32>
    %eq3A_101 = vector.broadcast %broadcast_in_dim3A_98 : vector<1x1024xf32> to vector<1024x1024xf32>
    %eq3A_102 = arith.cmpf oeq, %add3A_95, %eq3A_101 : vector<1024x1024xf32>
    %jit3A_103 = arith.constant 1.024000e+03 : f32
    %broadcast_in_dim3A_104 = vector.broadcast %jit3A_103 : f32 to vector<1024x1024xf32>
    %select_n3A_105 = arith.select %eq3A_102, %convert_element_type3A_100, %broadcast_in_dim3A_104 : vector<1024x1024xi1>, vector<1024x1024xf32>
    %reduce_min3A_106 = arith.constant dense<0x7F800000> : vector<1024xf32>
    %reduce_min3A_107 = vector.multi_reduction <minimumf>, %select_n3A_105, %reduce_min3A_106 [0] : vector<1024x1024xf32> to vector<1024xf32>
    %convert_element_type3A_108 = arith.fptosi %reduce_min3A_107 : vector<1024xf32> to vector<1024xi32>
    %swap3A_109 = arith.constant 0 : index
    %swap3A_110 = arith.constant 0 : index
    %swap3A_111 = arith.constant 2048 : index
    %swap3A_112 = vector.load %arg3[%swap3A_109, %swap3A_110, %swap3A_111] : memref<1x1x8192xi32, #tpu.memory_space<vmem>>, vector<1x1x1024xi32>
    %swap3A_113 = vector.shape_cast %swap3A_112 : vector<1x1x1024xi32> to vector<1024xi32>
    %swap3A_114 = vector.shape_cast %convert_element_type3A_108 : vector<1024xi32> to vector<1x1x1024xi32>
    tpu.vector_store %arg3[%swap3A_109, %swap3A_110, %swap3A_111], %swap3A_114 {strides = array<i32>} : memref<1x1x8192xi32, #tpu.memory_space<vmem>>, vector<1x1x1024xi32>,
    %reduce_sum3A_115 = vector.shape_cast %broadcast_in_dim3A_98 : vector<1x1024xf32> to vector<1x1x1024xf32>
    %reduce_sum3A_116 = arith.constant dense<0.000000e+00> : vector<1xf32>
    %reduce_sum3A_117 = vector.multi_reduction <add>, %reduce_sum3A_115, %reduce_sum3A_116 [1, 2] : vector<1x1x1024xf32> to vector<1xf32>
    %reduce_sum3A_118 = vector.shape_cast %reduce_sum3A_117 : vector<1xf32> to vector<1x1x1xf32>
    %reduce_sum3A_119 = vector.extract %reduce_sum3A_118[0, 0, 0] : f32 from vector<1x1x1xf32>
    %add3A_120 = arith.addf %add3A_77, %reduce_sum3A_119 : f32
    %get3A_121 = arith.constant 3 : index
    %get3A_122 = arith.constant 0 : index
    %get3A_123 = arith.constant 0 : index
    %get3A_124 = vector.load %arg1[%get3A_121, %get3A_122, %get3A_123] : memref<8x64x1024xf32, #tpu.memory_space<vmem>>, vector<1x64x1024xf32>
    %get3A_125 = vector.shape_cast %get3A_124 : vector<1x64x1024xf32> to vector<64x1024xf32>
    %dot_general3A_126 = arith.constant dense<0.000000e+00> : vector<1024x1024xf32>
    %dot_general3A_127 = tpu.matmul %get3A_1, %get3A_125, %dot_general3A_126 {dimension_numbers = #tpu.dot_dimension_numbers<[1], [0], [0], [1], [0, 0, 1, 1], [], []>, transpose_lhs_hint = false} : vector<1024x64xf32>, vector<64x1024xf32>, vector<1024x1024xf32> -> vector<1024x1024xf32>
    %mul3A_128 = arith.mulf %get3A_125, %get3A_125 : vector<64x1024xf32>
    %reduce_sum3A_129 = arith.constant dense<0.000000e+00> : vector<1024xf32>
    %reduce_sum3A_130 = vector.multi_reduction <add>, %mul3A_128, %reduce_sum3A_129 [0] : vector<64x1024xf32> to vector<1024xf32>
    %broadcast_in_dim3A_131 = vector.shape_cast %reduce_sum3A_130 : vector<1024xf32> to vector<1x1024xf32>
    %mul3A_132 = arith.constant 2.000000e+00 : f32
    %mul3A_133 = vector.broadcast %mul3A_132 : f32 to vector<1024x1024xf32>
    %mul3A_134 = arith.mulf %mul3A_133, %dot_general3A_127 : vector<1024x1024xf32>
    %sub3A_135 = vector.broadcast %broadcast_in_dim3A_131 : vector<1x1024xf32> to vector<1024x1024xf32>
    %sub3A_136 = arith.subf %sub3A_135, %mul3A_134 : vector<1024x1024xf32>
    %add3A_137 = vector.broadcast %broadcast_in_dim3A : vector<1024x1xf32> to vector<1024x1024xf32>
    %add3A_138 = arith.addf %sub3A_136, %add3A_137 : vector<1024x1024xf32>
    %reduce_min3A_139 = arith.constant dense<0x7F800000> : vector<1024xf32>
    %reduce_min3A_140 = vector.multi_reduction <minimumf>, %add3A_138, %reduce_min3A_139 [0] : vector<1024x1024xf32> to vector<1024xf32>
    %broadcast_in_dim3A_141 = vector.shape_cast %reduce_min3A_140 : vector<1024xf32> to vector<1x1024xf32>
    %iota3A_142 = tpu.iota {dimensions = array<i32: 0>} : vector<1024x1024xi32>
    %convert_element_type3A_143 = arith.sitofp %iota3A_142 : vector<1024x1024xi32> to vector<1024x1024xf32>
    %eq3A_144 = vector.broadcast %broadcast_in_dim3A_141 : vector<1x1024xf32> to vector<1024x1024xf32>
    %eq3A_145 = arith.cmpf oeq, %add3A_138, %eq3A_144 : vector<1024x1024xf32>
    %jit3A_146 = arith.constant 1.024000e+03 : f32
    %broadcast_in_dim3A_147 = vector.broadcast %jit3A_146 : f32 to vector<1024x1024xf32>
    %select_n3A_148 = arith.select %eq3A_145, %convert_element_type3A_143, %broadcast_in_dim3A_147 : vector<1024x1024xi1>, vector<1024x1024xf32>
    %reduce_min3A_149 = arith.constant dense<0x7F800000> : vector<1024xf32>
    %reduce_min3A_150 = vector.multi_reduction <minimumf>, %select_n3A_148, %reduce_min3A_149 [0] : vector<1024x1024xf32> to vector<1024xf32>
    %convert_element_type3A_151 = arith.fptosi %reduce_min3A_150 : vector<1024xf32> to vector<1024xi32>
    %swap3A_152 = arith.constant 0 : index
    %swap3A_153 = arith.constant 0 : index
    %swap3A_154 = arith.constant 3072 : index
    %swap3A_155 = vector.load %arg3[%swap3A_152, %swap3A_153, %swap3A_154] : memref<1x1x8192xi32, #tpu.memory_space<vmem>>, vector<1x1x1024xi32>
    %swap3A_156 = vector.shape_cast %swap3A_155 : vector<1x1x1024xi32> to vector<1024xi32>
    %swap3A_157 = vector.shape_cast %convert_element_type3A_151 : vector<1024xi32> to vector<1x1x1024xi32>
    tpu.vector_store %arg3[%swap3A_152, %swap3A_153, %swap3A_154], %swap3A_157 {strides = array<i32>} : memref<1x1x8192xi32, #tpu.memory_space<vmem>>, vector<1x1x1024xi32>,
    %reduce_sum3A_158 = vector.shape_cast %broadcast_in_dim3A_141 : vector<1x1024xf32> to vector<1x1x1024xf32>
    %reduce_sum3A_159 = arith.constant dense<0.000000e+00> : vector<1xf32>
    %reduce_sum3A_160 = vector.multi_reduction <add>, %reduce_sum3A_158, %reduce_sum3A_159 [1, 2] : vector<1x1x1024xf32> to vector<1xf32>
    %reduce_sum3A_161 = vector.shape_cast %reduce_sum3A_160 : vector<1xf32> to vector<1x1x1xf32>
    %reduce_sum3A_162 = vector.extract %reduce_sum3A_161[0, 0, 0] : f32 from vector<1x1x1xf32>
    %add3A_163 = arith.addf %add3A_120, %reduce_sum3A_162 : f32
    %get3A_164 = arith.constant 4 : index
    %get3A_165 = arith.constant 0 : index
    %get3A_166 = arith.constant 0 : index
    %get3A_167 = vector.load %arg1[%get3A_164, %get3A_165, %get3A_166] : memref<8x64x1024xf32, #tpu.memory_space<vmem>>, vector<1x64x1024xf32>
    %get3A_168 = vector.shape_cast %get3A_167 : vector<1x64x1024xf32> to vector<64x1024xf32>
    %dot_general3A_169 = arith.constant dense<0.000000e+00> : vector<1024x1024xf32>
    %dot_general3A_170 = tpu.matmul %get3A_1, %get3A_168, %dot_general3A_169 {dimension_numbers = #tpu.dot_dimension_numbers<[1], [0], [0], [1], [0, 0, 1, 1], [], []>, transpose_lhs_hint = false} : vector<1024x64xf32>, vector<64x1024xf32>, vector<1024x1024xf32> -> vector<1024x1024xf32>
    %mul3A_171 = arith.mulf %get3A_168, %get3A_168 : vector<64x1024xf32>
    %reduce_sum3A_172 = arith.constant dense<0.000000e+00> : vector<1024xf32>
    %reduce_sum3A_173 = vector.multi_reduction <add>, %mul3A_171, %reduce_sum3A_172 [0] : vector<64x1024xf32> to vector<1024xf32>
    %broadcast_in_dim3A_174 = vector.shape_cast %reduce_sum3A_173 : vector<1024xf32> to vector<1x1024xf32>
    %mul3A_175 = arith.constant 2.000000e+00 : f32
    %mul3A_176 = vector.broadcast %mul3A_175 : f32 to vector<1024x1024xf32>
    %mul3A_177 = arith.mulf %mul3A_176, %dot_general3A_170 : vector<1024x1024xf32>
    %sub3A_178 = vector.broadcast %broadcast_in_dim3A_174 : vector<1x1024xf32> to vector<1024x1024xf32>
    %sub3A_179 = arith.subf %sub3A_178, %mul3A_177 : vector<1024x1024xf32>
    %add3A_180 = vector.broadcast %broadcast_in_dim3A : vector<1024x1xf32> to vector<1024x1024xf32>
    %add3A_181 = arith.addf %sub3A_179, %add3A_180 : vector<1024x1024xf32>
    %reduce_min3A_182 = arith.constant dense<0x7F800000> : vector<1024xf32>
    %reduce_min3A_183 = vector.multi_reduction <minimumf>, %add3A_181, %reduce_min3A_182 [0] : vector<1024x1024xf32> to vector<1024xf32>
    %broadcast_in_dim3A_184 = vector.shape_cast %reduce_min3A_183 : vector<1024xf32> to vector<1x1024xf32>
    %iota3A_185 = tpu.iota {dimensions = array<i32: 0>} : vector<1024x1024xi32>
    %convert_element_type3A_186 = arith.sitofp %iota3A_185 : vector<1024x1024xi32> to vector<1024x1024xf32>
    %eq3A_187 = vector.broadcast %broadcast_in_dim3A_184 : vector<1x1024xf32> to vector<1024x1024xf32>
    %eq3A_188 = arith.cmpf oeq, %add3A_181, %eq3A_187 : vector<1024x1024xf32>
    %jit3A_189 = arith.constant 1.024000e+03 : f32
    %broadcast_in_dim3A_190 = vector.broadcast %jit3A_189 : f32 to vector<1024x1024xf32>
    %select_n3A_191 = arith.select %eq3A_188, %convert_element_type3A_186, %broadcast_in_dim3A_190 : vector<1024x1024xi1>, vector<1024x1024xf32>
    %reduce_min3A_192 = arith.constant dense<0x7F800000> : vector<1024xf32>
    %reduce_min3A_193 = vector.multi_reduction <minimumf>, %select_n3A_191, %reduce_min3A_192 [0] : vector<1024x1024xf32> to vector<1024xf32>
    %convert_element_type3A_194 = arith.fptosi %reduce_min3A_193 : vector<1024xf32> to vector<1024xi32>
    %swap3A_195 = arith.constant 0 : index
    %swap3A_196 = arith.constant 0 : index
    %swap3A_197 = arith.constant 4096 : index
    %swap3A_198 = vector.load %arg3[%swap3A_195, %swap3A_196, %swap3A_197] : memref<1x1x8192xi32, #tpu.memory_space<vmem>>, vector<1x1x1024xi32>
    %swap3A_199 = vector.shape_cast %swap3A_198 : vector<1x1x1024xi32> to vector<1024xi32>
    %swap3A_200 = vector.shape_cast %convert_element_type3A_194 : vector<1024xi32> to vector<1x1x1024xi32>
    tpu.vector_store %arg3[%swap3A_195, %swap3A_196, %swap3A_197], %swap3A_200 {strides = array<i32>} : memref<1x1x8192xi32, #tpu.memory_space<vmem>>, vector<1x1x1024xi32>,
    %reduce_sum3A_201 = vector.shape_cast %broadcast_in_dim3A_184 : vector<1x1024xf32> to vector<1x1x1024xf32>
    %reduce_sum3A_202 = arith.constant dense<0.000000e+00> : vector<1xf32>
    %reduce_sum3A_203 = vector.multi_reduction <add>, %reduce_sum3A_201, %reduce_sum3A_202 [1, 2] : vector<1x1x1024xf32> to vector<1xf32>
    %reduce_sum3A_204 = vector.shape_cast %reduce_sum3A_203 : vector<1xf32> to vector<1x1x1xf32>
    %reduce_sum3A_205 = vector.extract %reduce_sum3A_204[0, 0, 0] : f32 from vector<1x1x1xf32>
    %add3A_206 = arith.addf %add3A_163, %reduce_sum3A_205 : f32
    %get3A_207 = arith.constant 5 : index
    %get3A_208 = arith.constant 0 : index
    %get3A_209 = arith.constant 0 : index
    %get3A_210 = vector.load %arg1[%get3A_207, %get3A_208, %get3A_209] : memref<8x64x1024xf32, #tpu.memory_space<vmem>>, vector<1x64x1024xf32>
    %get3A_211 = vector.shape_cast %get3A_210 : vector<1x64x1024xf32> to vector<64x1024xf32>
    %dot_general3A_212 = arith.constant dense<0.000000e+00> : vector<1024x1024xf32>
    %dot_general3A_213 = tpu.matmul %get3A_1, %get3A_211, %dot_general3A_212 {dimension_numbers = #tpu.dot_dimension_numbers<[1], [0], [0], [1], [0, 0, 1, 1], [], []>, transpose_lhs_hint = false} : vector<1024x64xf32>, vector<64x1024xf32>, vector<1024x1024xf32> -> vector<1024x1024xf32>
    %mul3A_214 = arith.mulf %get3A_211, %get3A_211 : vector<64x1024xf32>
    %reduce_sum3A_215 = arith.constant dense<0.000000e+00> : vector<1024xf32>
    %reduce_sum3A_216 = vector.multi_reduction <add>, %mul3A_214, %reduce_sum3A_215 [0] : vector<64x1024xf32> to vector<1024xf32>
    %broadcast_in_dim3A_217 = vector.shape_cast %reduce_sum3A_216 : vector<1024xf32> to vector<1x1024xf32>
    %mul3A_218 = arith.constant 2.000000e+00 : f32
    %mul3A_219 = vector.broadcast %mul3A_218 : f32 to vector<1024x1024xf32>
    %mul3A_220 = arith.mulf %mul3A_219, %dot_general3A_213 : vector<1024x1024xf32>
    %sub3A_221 = vector.broadcast %broadcast_in_dim3A_217 : vector<1x1024xf32> to vector<1024x1024xf32>
    %sub3A_222 = arith.subf %sub3A_221, %mul3A_220 : vector<1024x1024xf32>
    %add3A_223 = vector.broadcast %broadcast_in_dim3A : vector<1024x1xf32> to vector<1024x1024xf32>
    %add3A_224 = arith.addf %sub3A_222, %add3A_223 : vector<1024x1024xf32>
    %reduce_min3A_225 = arith.constant dense<0x7F800000> : vector<1024xf32>
    %reduce_min3A_226 = vector.multi_reduction <minimumf>, %add3A_224, %reduce_min3A_225 [0] : vector<1024x1024xf32> to vector<1024xf32>
    %broadcast_in_dim3A_227 = vector.shape_cast %reduce_min3A_226 : vector<1024xf32> to vector<1x1024xf32>
    %iota3A_228 = tpu.iota {dimensions = array<i32: 0>} : vector<1024x1024xi32>
    %convert_element_type3A_229 = arith.sitofp %iota3A_228 : vector<1024x1024xi32> to vector<1024x1024xf32>
    %eq3A_230 = vector.broadcast %broadcast_in_dim3A_227 : vector<1x1024xf32> to vector<1024x1024xf32>
    %eq3A_231 = arith.cmpf oeq, %add3A_224, %eq3A_230 : vector<1024x1024xf32>
    %jit3A_232 = arith.constant 1.024000e+03 : f32
    %broadcast_in_dim3A_233 = vector.broadcast %jit3A_232 : f32 to vector<1024x1024xf32>
    %select_n3A_234 = arith.select %eq3A_231, %convert_element_type3A_229, %broadcast_in_dim3A_233 : vector<1024x1024xi1>, vector<1024x1024xf32>
    %reduce_min3A_235 = arith.constant dense<0x7F800000> : vector<1024xf32>
    %reduce_min3A_236 = vector.multi_reduction <minimumf>, %select_n3A_234, %reduce_min3A_235 [0] : vector<1024x1024xf32> to vector<1024xf32>
    %convert_element_type3A_237 = arith.fptosi %reduce_min3A_236 : vector<1024xf32> to vector<1024xi32>
    %swap3A_238 = arith.constant 0 : index
    %swap3A_239 = arith.constant 0 : index
    %swap3A_240 = arith.constant 5120 : index
    %swap3A_241 = vector.load %arg3[%swap3A_238, %swap3A_239, %swap3A_240] : memref<1x1x8192xi32, #tpu.memory_space<vmem>>, vector<1x1x1024xi32>
    %swap3A_242 = vector.shape_cast %swap3A_241 : vector<1x1x1024xi32> to vector<1024xi32>
    %swap3A_243 = vector.shape_cast %convert_element_type3A_237 : vector<1024xi32> to vector<1x1x1024xi32>
    tpu.vector_store %arg3[%swap3A_238, %swap3A_239, %swap3A_240], %swap3A_243 {strides = array<i32>} : memref<1x1x8192xi32, #tpu.memory_space<vmem>>, vector<1x1x1024xi32>,
    %reduce_sum3A_244 = vector.shape_cast %broadcast_in_dim3A_227 : vector<1x1024xf32> to vector<1x1x1024xf32>
    %reduce_sum3A_245 = arith.constant dense<0.000000e+00> : vector<1xf32>
    %reduce_sum3A_246 = vector.multi_reduction <add>, %reduce_sum3A_244, %reduce_sum3A_245 [1, 2] : vector<1x1x1024xf32> to vector<1xf32>
    %reduce_sum3A_247 = vector.shape_cast %reduce_sum3A_246 : vector<1xf32> to vector<1x1x1xf32>
    %reduce_sum3A_248 = vector.extract %reduce_sum3A_247[0, 0, 0] : f32 from vector<1x1x1xf32>
    %add3A_249 = arith.addf %add3A_206, %reduce_sum3A_248 : f32
    %get3A_250 = arith.constant 6 : index
    %get3A_251 = arith.constant 0 : index
    %get3A_252 = arith.constant 0 : index
    %get3A_253 = vector.load %arg1[%get3A_250, %get3A_251, %get3A_252] : memref<8x64x1024xf32, #tpu.memory_space<vmem>>, vector<1x64x1024xf32>
    %get3A_254 = vector.shape_cast %get3A_253 : vector<1x64x1024xf32> to vector<64x1024xf32>
    %dot_general3A_255 = arith.constant dense<0.000000e+00> : vector<1024x1024xf32>
    %dot_general3A_256 = tpu.matmul %get3A_1, %get3A_254, %dot_general3A_255 {dimension_numbers = #tpu.dot_dimension_numbers<[1], [0], [0], [1], [0, 0, 1, 1], [], []>, transpose_lhs_hint = false} : vector<1024x64xf32>, vector<64x1024xf32>, vector<1024x1024xf32> -> vector<1024x1024xf32>
    %mul3A_257 = arith.mulf %get3A_254, %get3A_254 : vector<64x1024xf32>
    %reduce_sum3A_258 = arith.constant dense<0.000000e+00> : vector<1024xf32>
    %reduce_sum3A_259 = vector.multi_reduction <add>, %mul3A_257, %reduce_sum3A_258 [0] : vector<64x1024xf32> to vector<1024xf32>
    %broadcast_in_dim3A_260 = vector.shape_cast %reduce_sum3A_259 : vector<1024xf32> to vector<1x1024xf32>
    %mul3A_261 = arith.constant 2.000000e+00 : f32
    %mul3A_262 = vector.broadcast %mul3A_261 : f32 to vector<1024x1024xf32>
    %mul3A_263 = arith.mulf %mul3A_262, %dot_general3A_256 : vector<1024x1024xf32>
    %sub3A_264 = vector.broadcast %broadcast_in_dim3A_260 : vector<1x1024xf32> to vector<1024x1024xf32>
    %sub3A_265 = arith.subf %sub3A_264, %mul3A_263 : vector<1024x1024xf32>
    %add3A_266 = vector.broadcast %broadcast_in_dim3A : vector<1024x1xf32> to vector<1024x1024xf32>
    %add3A_267 = arith.addf %sub3A_265, %add3A_266 : vector<1024x1024xf32>
    %reduce_min3A_268 = arith.constant dense<0x7F800000> : vector<1024xf32>
    %reduce_min3A_269 = vector.multi_reduction <minimumf>, %add3A_267, %reduce_min3A_268 [0] : vector<1024x1024xf32> to vector<1024xf32>
    %broadcast_in_dim3A_270 = vector.shape_cast %reduce_min3A_269 : vector<1024xf32> to vector<1x1024xf32>
    %iota3A_271 = tpu.iota {dimensions = array<i32: 0>} : vector<1024x1024xi32>
    %convert_element_type3A_272 = arith.sitofp %iota3A_271 : vector<1024x1024xi32> to vector<1024x1024xf32>
    %eq3A_273 = vector.broadcast %broadcast_in_dim3A_270 : vector<1x1024xf32> to vector<1024x1024xf32>
    %eq3A_274 = arith.cmpf oeq, %add3A_267, %eq3A_273 : vector<1024x1024xf32>
    %jit3A_275 = arith.constant 1.024000e+03 : f32
    %broadcast_in_dim3A_276 = vector.broadcast %jit3A_275 : f32 to vector<1024x1024xf32>
    %select_n3A_277 = arith.select %eq3A_274, %convert_element_type3A_272, %broadcast_in_dim3A_276 : vector<1024x1024xi1>, vector<1024x1024xf32>
    %reduce_min3A_278 = arith.constant dense<0x7F800000> : vector<1024xf32>
    %reduce_min3A_279 = vector.multi_reduction <minimumf>, %select_n3A_277, %reduce_min3A_278 [0] : vector<1024x1024xf32> to vector<1024xf32>
    %convert_element_type3A_280 = arith.fptosi %reduce_min3A_279 : vector<1024xf32> to vector<1024xi32>
    %swap3A_281 = arith.constant 0 : index
    %swap3A_282 = arith.constant 0 : index
    %swap3A_283 = arith.constant 6144 : index
    %swap3A_284 = vector.load %arg3[%swap3A_281, %swap3A_282, %swap3A_283] : memref<1x1x8192xi32, #tpu.memory_space<vmem>>, vector<1x1x1024xi32>
    %swap3A_285 = vector.shape_cast %swap3A_284 : vector<1x1x1024xi32> to vector<1024xi32>
    %swap3A_286 = vector.shape_cast %convert_element_type3A_280 : vector<1024xi32> to vector<1x1x1024xi32>
    tpu.vector_store %arg3[%swap3A_281, %swap3A_282, %swap3A_283], %swap3A_286 {strides = array<i32>} : memref<1x1x8192xi32, #tpu.memory_space<vmem>>, vector<1x1x1024xi32>,
    %reduce_sum3A_287 = vector.shape_cast %broadcast_in_dim3A_270 : vector<1x1024xf32> to vector<1x1x1024xf32>
    %reduce_sum3A_288 = arith.constant dense<0.000000e+00> : vector<1xf32>
    %reduce_sum3A_289 = vector.multi_reduction <add>, %reduce_sum3A_287, %reduce_sum3A_288 [1, 2] : vector<1x1x1024xf32> to vector<1xf32>
    %reduce_sum3A_290 = vector.shape_cast %reduce_sum3A_289 : vector<1xf32> to vector<1x1x1xf32>
    %reduce_sum3A_291 = vector.extract %reduce_sum3A_290[0, 0, 0] : f32 from vector<1x1x1xf32>
    %add3A_292 = arith.addf %add3A_249, %reduce_sum3A_291 : f32
    %get3A_293 = arith.constant 7 : index
    %get3A_294 = arith.constant 0 : index
    %get3A_295 = arith.constant 0 : index
    %get3A_296 = vector.load %arg1[%get3A_293, %get3A_294, %get3A_295] : memref<8x64x1024xf32, #tpu.memory_space<vmem>>, vector<1x64x1024xf32>
    %get3A_297 = vector.shape_cast %get3A_296 : vector<1x64x1024xf32> to vector<64x1024xf32>
    %dot_general3A_298 = arith.constant dense<0.000000e+00> : vector<1024x1024xf32>
    %dot_general3A_299 = tpu.matmul %get3A_1, %get3A_297, %dot_general3A_298 {dimension_numbers = #tpu.dot_dimension_numbers<[1], [0], [0], [1], [0, 0, 1, 1], [], []>, transpose_lhs_hint = false} : vector<1024x64xf32>, vector<64x1024xf32>, vector<1024x1024xf32> -> vector<1024x1024xf32>
    %mul3A_300 = arith.mulf %get3A_297, %get3A_297 : vector<64x1024xf32>
    %reduce_sum3A_301 = arith.constant dense<0.000000e+00> : vector<1024xf32>
    %reduce_sum3A_302 = vector.multi_reduction <add>, %mul3A_300, %reduce_sum3A_301 [0] : vector<64x1024xf32> to vector<1024xf32>
    %broadcast_in_dim3A_303 = vector.shape_cast %reduce_sum3A_302 : vector<1024xf32> to vector<1x1024xf32>
    %mul3A_304 = arith.constant 2.000000e+00 : f32
    %mul3A_305 = vector.broadcast %mul3A_304 : f32 to vector<1024x1024xf32>
    %mul3A_306 = arith.mulf %mul3A_305, %dot_general3A_299 : vector<1024x1024xf32>
    %sub3A_307 = vector.broadcast %broadcast_in_dim3A_303 : vector<1x1024xf32> to vector<1024x1024xf32>
    %sub3A_308 = arith.subf %sub3A_307, %mul3A_306 : vector<1024x1024xf32>
    %add3A_309 = vector.broadcast %broadcast_in_dim3A : vector<1024x1xf32> to vector<1024x1024xf32>
    %add3A_310 = arith.addf %sub3A_308, %add3A_309 : vector<1024x1024xf32>
    %reduce_min3A_311 = arith.constant dense<0x7F800000> : vector<1024xf32>
    %reduce_min3A_312 = vector.multi_reduction <minimumf>, %add3A_310, %reduce_min3A_311 [0] : vector<1024x1024xf32> to vector<1024xf32>
    %broadcast_in_dim3A_313 = vector.shape_cast %reduce_min3A_312 : vector<1024xf32> to vector<1x1024xf32>
    %iota3A_314 = tpu.iota {dimensions = array<i32: 0>} : vector<1024x1024xi32>
    %convert_element_type3A_315 = arith.sitofp %iota3A_314 : vector<1024x1024xi32> to vector<1024x1024xf32>
    %eq3A_316 = vector.broadcast %broadcast_in_dim3A_313 : vector<1x1024xf32> to vector<1024x1024xf32>
    %eq3A_317 = arith.cmpf oeq, %add3A_310, %eq3A_316 : vector<1024x1024xf32>
    %jit3A_318 = arith.constant 1.024000e+03 : f32
    %broadcast_in_dim3A_319 = vector.broadcast %jit3A_318 : f32 to vector<1024x1024xf32>
    %select_n3A_320 = arith.select %eq3A_317, %convert_element_type3A_315, %broadcast_in_dim3A_319 : vector<1024x1024xi1>, vector<1024x1024xf32>
    %reduce_min3A_321 = arith.constant dense<0x7F800000> : vector<1024xf32>
    %reduce_min3A_322 = vector.multi_reduction <minimumf>, %select_n3A_320, %reduce_min3A_321 [0] : vector<1024x1024xf32> to vector<1024xf32>
    %convert_element_type3A_323 = arith.fptosi %reduce_min3A_322 : vector<1024xf32> to vector<1024xi32>
    %swap3A_324 = arith.constant 0 : index
    %swap3A_325 = arith.constant 0 : index
    %swap3A_326 = arith.constant 7168 : index
    %swap3A_327 = vector.load %arg3[%swap3A_324, %swap3A_325, %swap3A_326] : memref<1x1x8192xi32, #tpu.memory_space<vmem>>, vector<1x1x1024xi32>
    %swap3A_328 = vector.shape_cast %swap3A_327 : vector<1x1x1024xi32> to vector<1024xi32>
    %swap3A_329 = vector.shape_cast %convert_element_type3A_323 : vector<1024xi32> to vector<1x1x1024xi32>
    tpu.vector_store %arg3[%swap3A_324, %swap3A_325, %swap3A_326], %swap3A_329 {strides = array<i32>} : memref<1x1x8192xi32, #tpu.memory_space<vmem>>, vector<1x1x1024xi32>,
    %reduce_sum3A_330 = vector.shape_cast %broadcast_in_dim3A_313 : vector<1x1024xf32> to vector<1x1x1024xf32>
    %reduce_sum3A_331 = arith.constant dense<0.000000e+00> : vector<1xf32>
    %reduce_sum3A_332 = vector.multi_reduction <add>, %reduce_sum3A_330, %reduce_sum3A_331 [1, 2] : vector<1x1x1024xf32> to vector<1xf32>
    %reduce_sum3A_333 = vector.shape_cast %reduce_sum3A_332 : vector<1xf32> to vector<1x1x1xf32>
    %reduce_sum3A_334 = vector.extract %reduce_sum3A_333[0, 0, 0] : f32 from vector<1x1x1xf32>
    %add3A_335 = arith.addf %add3A_292, %reduce_sum3A_334 : f32
    %eq3A_336 = arith.constant 0 : i32
    %eq3A_337 = arith.cmpi eq, %arg0, %eq3A_336 : i32
    %convert_element_type3A_338 = arith.extui %eq3A_337 : i1 to i32
    %cond3A = arith.constant 0 : i32
    %cond3A_339 = arith.cmpi ne, %convert_element_type3A_338, %cond3A : i32
    scf.if %cond3A_339 {
      %broadcast_in_dim3A_353 = arith.constant 0.000000e+00 : f32
      %broadcast_in_dim3A_354 = vector.broadcast %broadcast_in_dim3A_353 : f32 to vector<1x1xf32>
      %swap3A_355 = arith.constant 0 : index
      %swap3A_356 = arith.constant 0 : index
      %swap3A_357 = vector.load %arg4[%swap3A_355, %swap3A_356] : memref<1x1xf32, #tpu.memory_space<vmem>>, vector<1x1xf32>
      tpu.vector_store %arg4[%swap3A_355, %swap3A_356], %broadcast_in_dim3A_354 {strides = array<i32>} : memref<1x1xf32, #tpu.memory_space<vmem>>, vector<1x1xf32>,
    } else {
    }
    %get3A_340 = arith.constant 0 : index
    %get3A_341 = arith.constant 0 : index
    %get3A_342 = vector.load %arg4[%get3A_340, %get3A_341] : memref<1x1xf32, #tpu.memory_space<vmem>>, vector<1x1xf32>
    %broadcast_in_dim3A_343 = vector.broadcast %add3A_335 : f32 to vector<1x1xf32>
    %add3A_344 = arith.addf %get3A_342, %broadcast_in_dim3A_343 : vector<1x1xf32>
    %swap3A_345 = arith.constant 0 : index
    %swap3A_346 = arith.constant 0 : index
    %swap3A_347 = vector.load %arg4[%swap3A_345, %swap3A_346] : memref<1x1xf32, #tpu.memory_space<vmem>>, vector<1x1xf32>
    tpu.vector_store %arg4[%swap3A_345, %swap3A_346], %add3A_344 {strides = array<i32>} : memref<1x1xf32, #tpu.memory_space<vmem>>, vector<1x1xf32>,
    %eq3A_348 = arith.constant 1 : i32
    %eq3A_349 = arith.cmpi eq, %arg0, %eq3A_348 : i32
    %convert_element_type3A_350 = arith.extui %eq3A_349 : i1 to i32
    %cond3A_351 = arith.constant 0 : i32
    %cond3A_352 = arith.cmpi ne, %convert_element_type3A_350, %cond3A_351 : i32
    scf.if %cond3A_352 {
      %get3A_353 = arith.constant 0 : index
      %get3A_354 = arith.constant 0 : index
      %get3A_355 = vector.load %arg4[%get3A_353, %get3A_354] : memref<1x1xf32, #tpu.memory_space<vmem>>, vector<1x1xf32>
      %mul3A_356 = arith.constant 1.1920929E-6 : f32
      %mul3A_357 = vector.broadcast %mul3A_356 : f32 to vector<1x1xf32>
      %mul3A_358 = arith.mulf %get3A_355, %mul3A_357 : vector<1x1xf32>
      %swap3A_359 = arith.constant 0 : index
      %swap3A_360 = arith.constant 0 : index
      %swap3A_361 = vector.load %arg4[%swap3A_359, %swap3A_360] : memref<1x1xf32, #tpu.memory_space<vmem>>, vector<1x1xf32>
      tpu.vector_store %arg4[%swap3A_359, %swap3A_360], %mul3A_358 {strides = array<i32>} : memref<1x1xf32, #tpu.memory_space<vmem>>, vector<1x1xf32>,
    } else {
    }
    return
  }
  func.func @transform_0(%arg0: i32) -> (i32, i32, i32) {
    %c0_i32 = arith.constant 0 : i32
    %c0_i32_0 = arith.constant 0 : i32
    %c0_i32_1 = arith.constant 0 : i32
    return %arg0, %c0_i32, %c0_i32_0 : i32, i32, i32
  }
  func.func @transform_1(%arg0: i32) -> (i32, i32) {
    %c0_i32 = arith.constant 0 : i32
    %c0_i32_0 = arith.constant 0 : i32
    %c0_i32_1 = arith.constant 0 : i32
    return %c0_i32, %c0_i32_0 : i32, i32
  }
  func.func @transform_2(%arg0: i32) -> (i32, i32, i32) {
    %c0_i32 = arith.constant 0 : i32
    %c0_i32_0 = arith.constant 0 : i32
    %c0_i32_1 = arith.constant 0 : i32
    return %arg0, %c0_i32, %c0_i32_0 : i32, i32, i32
  }
  func.func @transform_3(%arg0: i32) -> (i32, i32) {
    %c0_i32 = arith.constant 0 : i32
    %c0_i32_0 = arith.constant 0 : i32
    %c0_i32_1 = arith.constant 0 : i32
    return %c0_i32, %c0_i32_0 : i32, i32
  }
}

</mosaic_0001>

<sc_bundles>
// kernel: kernel.4.cloned.1.call-start
scs
__scs_entry_jumppad:
0x0: {  	(pc) =	sbr.rel $0x88, $3  }
0x1: {  	(tag) =	ssettag $0x0;
	lr =	simm.s32 $0x1  }
0x2: {  	[smem:$0x3F9F] =	sst lr;
	_ =	strace $0xD0000000  }
0x3: {  	_ = 	snop  }
0x4: {  	_ = 	snop  }
0x5: {  	_ = 	snop  }
0x6: {  	_ = 	snop  }
0x7: {  	_ = 	snop  }
__scs_overlays_trampoline_lowered:
0x8: {  	[smem:$0x3FAE] =	sst s0  }
0x9: {  	[smem:$0x3FAF] =	sst s1  }
0xa: {  	[smem:$0x3FB0] =	sst s2  }
0xb: {  	[smem:$0x3FB1] =	sst s3  }
0xc: {  	[smem:$0x3FB2] =	sst s4  }
0xd: {  	[smem:$0x3FB3] =	sst s5  }
0xe: {  	[smem:$0x3FB4] =	sst s6  }
0xf: {  	[smem:$0x3FB5] =	sst s7  }
0x10: {  	[smem:$0x3FB6] =	sst s8  }
0x11: {  	[smem:$0x3FB7] =	sst s9;
	s0 =	simm.s32 @!p0 $0x0  }
0x12: {  	s1 =	sld [smem:$0x3F9D];
	s0 =	simm.s32 @p0 $0x1  }
0x13: {  	[smem:$0x3FB8] =	sst s0;
	s0 =	simm.s32 @!p1 $0x0  }
0x14: {  	s2 =	sld [smem:$0x3F9C];
	s0 =	simm.s32 @p1 $0x1  }
0x15: {  	[smem:$0x3FB9] =	sst s0;
	s0 =	simm.s32 @!p2 $0x0  }
0x16: {  	s3 =	sld [smem:$0x3FDB];
	s0 =	simm.s32 @p2 $0x1  }
0x17: {  	s4 =	simm.s32 $0x1BF5;
	[smem:$0x3FBB] =	sst s0  }
0x18: {  	s0 =	sld [smem:$0x3F9E];
	_ =	swait.ge [sflag:s4], $0x0  }
0x19: {  	s7 =	sld [smem:$0x3F9F]  }
0x1a: {  	s8 =	sadd.s32 $0xFFFFE003, lr  }
0x1b: {  	s9 =	sadd.s32 $0xFFFFFEF7, lr;
	s5 =	simm.s32 $0xFFFFFFFF;
	p2 =	slt.u32 s8, $0xFFFFF086  }
0x1c: {  	p1 =	slt.u32 s9, $0xF7A;
	s5 =	simm.s32 @!p2 $0x0  }
0x1d: {  	s5 =	simm.s32 @p1 $0x1;
	p0 =	seq.s32 s7, s2  }
0x1e: {  	s7 =	smul.u32 @!p0 $0xF7A, s2;
	p2 =	seq.s32 @!p0 s5, $0x0  }
0x1f: {  	s9 =	smul.u32 $0xF7A, s1;
	s8 =	simm.s32 @!p0 $0x1BF5;
	p2 =	por !p2, p0  }
0x20: {  	[sflag:s8] =	ssyncset.s32 @!p0 $0xFFFFF086;
	s6 =	sadd.s32 @!p0 s3, s7;
	s7 =	simm.s32 @!p0 $0x108  }
0x21: {  	s3 =	sadd.s32 s3, s9;
	s6 =	sadd.s32 @!p0 $0x88, s6;
	s7 =	simm.s32 @p2 $0x1082  }
0x22: {  	[simem:s7], [sflag:s8] =	dma.local @!p0 [hbm:s6], $0xF7A  }
0x23: {  	s9 =	sor.u32 $0xD0000000, s2;
	s6 =	simm.s32 $0x108;
	_ =	swait.ge @!p0 [sflag:s8], $0x0  }
0x24: {  	s3 =	sadd.s32 $0x88, s3;
	s6 =	simm.s32 @!p1 $0x1082;
	[sflag:s4] =	ssyncset.s32 $0xFFFFF086  }
0x25: {  	[simem:s6], [sflag:s4] =	dma.local [hbm:s3], $0xF7A  }
0x26: {  	[smem:$0x3F9F] =	sst s1;
	(tag) =	ssettag s2;
	_ =	strace s9  }
0x27: {  	s1 =	sld [smem:$0x3FAF]  }
0x28: {  	s2 =	sld [smem:$0x3FB0]  }
0x29: {  	s4 =	sld [smem:$0x3FB2]  }
0x2a: {  	p0 =	seq.s32 s5, $0x0;
	s5 =	sld [smem:$0x3FB3]  }
0x2b: {  	s6 =	sld [smem:$0x3FB4]  }
0x2c: {  	s7 =	sld [smem:$0x3FB5]  }
0x2d: {  	s3 =	simm.s32 $0x108;
	s8 =	sld [smem:$0x3FB6]  }
0x2e: {  	s3 =	simm.s32 @!p0 $0x1082;
	s9 =	sld [smem:$0x3FB7]  }
0x2f: {  	lr =	sadd.s32 s0, s3;
	s0 =	sld [smem:$0x3FAE]  }
0x30: {  	s3 =	sld [smem:$0x3FB1]  }
0x31: {  	[smem:$0x3FBA] =	sst s10  }
0x32: {  	s10 =	sld [smem:$0x3FB8];
	_ =	sdelay $0x3  }
0x33: {  	p0 =	seq.s32 s10, $0x1;
	s10 =	sld [smem:$0x3FBA];
	_ =	sdelay $0x3  }
0x34: {  	[smem:$0x3FBA] =	sst s10  }
0x35: {  	s10 =	sld [smem:$0x3FB9];
	_ =	sdelay $0x3  }
0x36: {  	p1 =	seq.s32 s10, $0x1;
	s10 =	sld [smem:$0x3FBA];
	_ =	sdelay $0x3  }
0x37: {  	[smem:$0x3FBA] =	sst s10  }
0x38: {  	s10 =	sld [smem:$0x3FBB]  }
0x39: {  	_ = 	snop;
	(pc) =	sbr.ind lr, $3  }
0x3a: {  	_ = 	snop  }
0x3b: {  	_ = 	snop  }
0x3c: {  	p2 =	seq.s32 s10, $0x1;
	s10 =	sld [smem:$0x3FBA]  }
0x3d: {  	_ =	shalt  }
0x3e: {  	_ =	shalt  }
0x3f: {  	_ =	shalt  }
0x40: {  	_ =	shalt  }
0x41: {  	_ =	shalt  }
0x42: {  	_ =	shalt  }
0x43: {  	_ =	shalt  }
0x44: {  	_ =	shalt  }
0x45: {  	_ =	shalt  }
0x46: {  	_ =	shalt  }
0x47: {  	_ =	shalt  }
0x48: {  	_ =	shalt  }
0x49: {  	_ =	shalt  }
0x4a: {  	_ =	shalt  }
0x4b: {  	_ =	shalt  }
0x4c: {  	_ =	shalt  }
0x4d: {  	_ =	shalt  }
0x4e: {  	_ =	shalt  }
0x4f: {  	_ =	shalt  }
0x50: {  	_ =	shalt  }
0x51: {  	_ =	shalt  }
0x52: {  	_ =	shalt  }
0x53: {  	_ =	shalt  }
0x54: {  	_ =	shalt  }
0x55: {  	_ =	shalt  }
0x56: {  	_ =	shalt  }
0x57: {  	_ =	shalt  }
0x58: {  	_ =	shalt  }
0x59: {  	_ =	shalt  }
0x5a: {  	_ =	shalt  }
0x5b: {  	_ =	shalt  }
0x5c: {  	_ =	shalt  }
0x5d: {  	_ =	shalt  }
0x5e: {  	_ =	shalt  }
0x5f: {  	_ =	shalt  }
0x60: {  	_ =	shalt  }
0x61: {  	_ =	shalt  }
0x62: {  	_ =	shalt  }
0x63: {  	_ =	shalt  }
0x64: {  	_ =	shalt  }
0x65: {  	_ =	shalt  }
0x66: {  	_ =	shalt  }
0x67: {  	_ =	shalt  }
0x68: {  	_ =	shalt  }
0x69: {  	_ =	shalt  }
0x6a: {  	_ =	shalt  }
0x6b: {  	_ =	shalt  }
0x6c: {  	_ =	shalt  }
0x6d: {  	_ =	shalt  }
0x6e: {  	_ =	shalt  }
0x6f: {  	_ =	shalt  }
0x70: {  	_ =	shalt  }
0x71: {  	_ =	shalt  }
0x72: {  	_ =	shalt  }
0x73: {  	_ =	shalt  }
0x74: {  	_ =	shalt  }
0x75: {  	_ =	shalt  }
0x76: {  	_ =	shalt  }
0x77: {  	_ =	shalt  }
0x78: {  	_ =	shalt  }
0x79: {  	_ =	shalt  }
0x7a: {  	_ =	shalt  }
0x7b: {  	_ =	shalt  }
0x7c: {  	_ =	shalt  }
0x7d: {  	_ =	shalt  }
0x7e: {  	_ =	shalt  }
0x7f: {  	_ =	shalt  }
0x80: {  	_ =	shalt  }
0x81: {  	_ =	shalt  }
0x82: {  	_ =	shalt  }
0x83: {  	_ =	shalt  }
0x84: {  	_ =	shalt  }
0x85: {  	_ =	shalt  }
0x86: {  	_ =	shalt  }
0x87: {  	_ =	shalt  }
.Lfunc_end0:
.L_simem_size_0:
called_computation_lowered:
.L_overlay_start_0:
0x88: {  	s2 =	sld [smem:$0x3FD9]  }
0x89: {  	s3 =	sld [smem:$0x3FFE];
	_ =	sdelay $0x1  }
0x8a: {  	s1 =	srdreg.scid  }
0x8b: {  	s0 =	sand.u32 $0x1, s1  }
0x8c: {  	s14 =	sshll.u32 s0, $0xA;
	s2 =	sadd.s32 s3, s2  }
0x8d: {  	s2 =	sadd.s32 s2, s14  }
0x8e: {  	[smem:$0x3FC6] =	sst s2  }
0x8f: {  	_ = 	snop  }
0x90: {  	s2 =	sld [smem:$0x3FD0];
	_ =	sdelay $0x2  }
0x91: {  	s15 =	simm.s32 $0xA;
	s4 =	simm.s32 $0x10  }
0x92: {  	[smem:s4], [sflag:s15] =	dma.local [hbm:s2], $0x1  }
0x93: {  	_ =	swait.eq [sflag:s15], $0x1  }
0x94: {  	[sflag:s15] =	ssyncset.done $0x0  }
0x95: {  	s16 =	sld [smem:$0x10];
	[sflag:s15] =	ssyncadd.s32 $0xFFFFFFFF  }
0x96: {  	s17 =	sld [smem:$0x12];
	(tm) =	ssettm $0x1  }
0x97: {  	s18 =	sld [smem:$0x3FFB];
	_ =	sdelay $0x3  }
0x98: {  	_ =	strace s18  }
0x99: {  	s4 =	sld [smem:$0x3FFC];
	_ =	sdelay $0x3  }
0x9a: {  	_ =	strace s4  }
0x9b: {  	s4 =	sld [smem:$0x3FFD];
	_ =	sdelay $0x3  }
0x9c: {  	_ =	strace s4  }
0x9d: {  	_ =	strace $0x8FFFFFFF  }
0x9e: {  	s19 =	sld [smem:$0x3FDB];
	_ =	sdelay $0x1  }
0x9f: {  	s5 =	simm.s32 $_scs_section_size  }
0xa0: {  	s6 =	simm.s32 $_size__tile_overlayer_lowered;
	s7 =	simm.s32 $_tile_overlayer_lowered  }
0xa1: {  	s22 =	simm.s32 $0x1BFF;
	s21 =	sshll.u32 s7, $0x1;
	s4 =	sadd.s32 s5, s19  }
0xa2: {  	s8 =	simm.s32 $0x0;
	s20 =	sshll.u32 s6, $0x1;
	s6 =	sadd.s32 s21, s4  }
0xa3: {  	[timem:s8], [sflag:s22] =	dma.local [hbm:s6], s20  }
0xa4: {  	_ =	swait.ge [sflag:s22], s20  }
0xa5: {  	s5 =	ssub.s32 $0x0, s20;
	[sflag:s22] =	ssyncset.done $0x0  }
0xa6: {  	[sflag:s22] =	ssyncadd.s32 s5;
	_ =	sdelay $0x1  }
0xa7: {  	s23 =	simm.s32 $0x1B8B  }
0xa8: {  	_ =	swait.ge [sflag:s23], $0x1  }
0xa9: {  	[sflag:s23] =	ssyncset.done $0x0  }
0xaa: {  	s25 =	simm.s32 $0x1B8E;
	s24 =	sld [smem:$0x3FFE];
	[sflag:s23] =	ssyncadd.s32 $0xFFFFFFFF  }
0xab: {  	s26 =	simm.s32 $execute0_lowered;
	[smem:$0x3FD2] =	sst s25  }
0xac: {  	s6 =	sshll.u32 s26, $0x1;
	_ =	strace $0x80000046;
	[dreg:$0x1] =	wrdreg $0xFFFFFFFF  }
0xad: {  	s28 =	simm.s32 $_size_execute0_lowered;
	s4 =	sadd.s32 s4, s6;
	[dreg:$0x0] =	wrdreg $0x0  }
0xae: {  	s6 =	sshll.u32 s28, $0x1;
	[dreg:$0x2] =	wrdreg s4  }
0xaf: {  	[dreg:$0x3] =	wrdreg s6  }
0xb0: {  	[dreg:$0x4] =	wrdreg $0xC0  }
0xb1: {  	_ =	task [dreg:s8], $0x5FFFF  }
0xb2: {  	[dreg:$0x1] =	wrdreg $0xFFFFFFFF  }
0xb3: {  	[dreg:$0x0] =	wrdreg $0x60  }
0xb4: {  	[dreg:$0x2] =	wrdreg s17  }
0xb5: {  	[dreg:$0x3] =	wrdreg s24  }
0xb6: {  	[dreg:$0x4] =	wrdreg s16  }
0xb7: {  	[dreg:$0x5] =	wrdreg $0x9  }
0xb8: {  	_ =	task.clear_ibuf [dreg:s8], $0x6FFFF;
	_ =	strace $0x90000046  }
0xb9: {  	s29 =	simm.s32 $0x9;
	_ =	strace $0x80000048  }
0xba: {  	_ =	swait.ge [sflag:s29], $0x1  }
0xbb: {  	[sflag:s29] =	ssyncadd.s32 $0xFFFFFFFF  }
0xbc: {  	_ =	strace $0x90000048  }
0xbd: {  	_ =	sfence  }
0xbe: {  	s30 =	sld [smem:$0x0];
	_ =	sdelay $0x2  }
0xbf: {  	s31 =	sshll.u32 s1, $0xD;
	s1 =	sshrl.u32 s1, $0x2  }
0xc0: {  	s3 =	sand.u32 $0x4000, s31;
	s1 =	sadd.s32 s1, s30  }
0xc1: {  	s0 =	sor.u32 s3, s0;
	s1 =	sshll.u32 s1, $0x11  }
0xc2: {  	s0 =	sor.u32 s1, s0  }
0xc3: {  	s0 =	sadd.s32 $0x8F2B, s0  }
0xc4: {  	[sflag:s0] =	ssyncadd.remote.s32 $0x1  }
0xc5: {  	_ =	sfence.sel $0xFFFF  }
0xc6: {  	[dreg:$0x0] =	wrdreg $0xFFFFFFFF;
	(pc) =	sbr.abs _section_cstart, $3  }
0xc7: {  	[dreg:$0x1] =	wrdreg $0xFFFFFFFF  }
0xc8: {  	_ =	task.clear_ibuf [dreg:s8], $0x2FFFF;
	_ =	strace $0x9FFFFFFF  }
0xc9: {  	(tm) =	ssettm $0x7FFFFFFF  }
tec
execute0_lowered:
.L_overlay_start_1:
0x0: {  	(tag) =	ssettag $0x1  }
0x1: {  	s3 =	rddreg [dreg:$0x0]  }
0x2: {  	s5 =	rddreg [dreg:$0x1]  }
0x3: {  	s1 =	srdreg.scid;
	s0 =	stileid.u32  }
0x4: {  	s14 =	rddreg [dreg:$0x2];
	s15 =	sand.u32 $0x1, s1;
	s4 =	sshll.u32 s0, $0x1  }
0x5: {  	s2 =	simm.s32 $0x0;
	s1 =	rddreg [dreg:$0x3];
	s16 =	sor.u32 s15, s4  }
0x6: {  	[smem:$0x7FF] =	sst s2;
	s4 =	sshll.u32 s16, $0x6  }
0x7: {  	_ =	strace $0x80000047;
	s4 =	sadd.s32 s3, s4;
	s3 =	simm.s32 $0x2  }
0x8: {  	[tilespmem:s2], [sflag:$0x2] =	stream.linear.gather [hbm4b:s4+s2], $0x200, $0x38;
	[tilespmem:$0x8200] =	vst v63  }
0x9: {  	_ =	swait.ge [sflag:s3], $0x200  }
0xa: {  	s6 =	simm.s32 $0x80;
	[sflag:s3] =	ssyncset.done $0x0  }
0xb: {  	s7 =	simm.s32 $0x200;
	s5 =	sadd.s32 $0x800, s5;
	[sflag:s3] =	ssyncadd.s32 $0xFFFFFE00  }
0xc: {  	[tilespmem:s7], [sflag:$0x1] =	stream.indirect.gather [hbm4b:s5+s6], $0x40, s2, s6, $0xb8;
	[tilespmem:$0x8200] =	vst v63  }
0xd: {  	s8 =	simm.s32 $0x2200  }
0xe: {  	[tilespmem:s8], [sflag:$0x1] =	stream.indirect.gather [hbm4b:s5+s6], $0x40, s6, s6, $0xb8;
	[tilespmem:$0x8200] =	vst v63  }
0xf: {  	s9 =	simm.s32 $0x100;
	s10 =	simm.s32 $0x4200  }
0x10: {  	[tilespmem:s10], [sflag:$0x1] =	stream.indirect.gather [hbm4b:s5+s6], $0x40, s9, s6, $0xb8;
	[tilespmem:$0x8200] =	vst v63  }
0x11: {  	s11 =	simm.s32 $0x1;
	s12 =	simm.s32 $0x180;
	s13 =	simm.s32 $0x6200  }
0x12: {  	[tilespmem:s13], [sflag:$0x1] =	stream.indirect.gather [hbm4b:s5+s6], $0x40, s12, s6, $0xb8;
	[tilespmem:$0x8200] =	vst v63  }
0x13: {  	_ =	swait.ge [sflag:s11], $0x2000  }
0x14: {  	p1 =	seq.s32 s15, $0x1;
	p0 =	seq.s32 s16, $0x0;
	[sflag:s11] =	ssyncset.done $0x0  }
0x15: {  	p0 =	por !p0, !p1;
	[sflag:s11] =	ssyncadd.s32 $0xFFFFE000  }
0x16: {  	s16 =	simm.s32 $0x1;
	p0 =	por !p0, !p0;
	_ =	swait.ge [sflag:s11], $0x2000  }
0x17: {  	s17 =	ssub.s32 $0x2, s15;
	s16 =	simm.s32 @!p0 $0x0;
	[sflag:s11] =	ssyncset.done $0x0  }
0x18: {  	s15 =	sshll.u32 s15, $0xF;
	s16 =	ssub.s32 s0, s16;
	[sflag:s11] =	ssyncadd.s32 $0xFFFFE000  }
0x19: {  	s30 =	sshrl.u32 s17, $0x1;
	s16 =	sshll.u32 s16, $0x10;
	_ =	swait.ge [sflag:s11], $0x2000  }
0x1a: {  	s15 =	sor.u32 s15, s16;
	s16 =	ssub.s32 s17, s30;
	[sflag:s11] =	ssyncset.done $0x0  }
0x1b: {  	s31 =	smax.u32 s16, $0x1;
	[sflag:s11] =	ssyncadd.s32 $0xFFFFE000  }
0x1c: {  	p0 =	sne.s32 s31, $0x1;
	_ =	swait.ge [sflag:s11], $0x2000  }
.Ltmp0:
0x1d: {  	s15 =	sshrl.u32 s15, $0x3;
	[sflag:s11] =	ssyncset.done $0x0;
	(pc) =	sbr.rel @!p0 .LBB2_2-.Ltmp0, $4  }
0x1e: {  	s14 =	sadd.s32 s14, s15;
	[sflag:s11] =	ssyncadd.s32 $0xFFFFE000  }
0x1f: {  	[hbm4b:s14+s2] =	stream.linear.scatter [tilespmem:s7], [sflag:$0x2], $0x8000, $0x38;
	[tilespmem:$0x8200] =	vst v63  }
0x20: {  	_ =	swait.ge [sflag:s3], $0x8000  }
0x21: {  	s15 =	sadd.s32 $0xFFFFFFFF, s31;
	[sflag:s3] =	ssyncset.done $0x0  }
.LBB2_1:
0x22: {  	p0 =	sne.s32 s15, $0x1;
	s15 =	sadd.s32 $0xFFFFFFFF, s15;
	[sflag:s3] =	ssyncadd.s32 $0xFFFF8000  }
0x23: {  	[tilespmem:s2], [sflag:$0x2] =	stream.linear.gather [hbm4b:s4+s2], $0x200, $0x38;
	[tilespmem:$0x8200] =	vst v63  }
0x24: {  	_ =	swait.ge [sflag:s3], $0x200  }
0x25: {  	[sflag:s3] =	ssyncset.done $0x0  }
0x26: {  	[sflag:s3] =	ssyncadd.s32 $0xFFFFFE00  }
0x27: {  	[tilespmem:s7], [sflag:$0x1] =	stream.indirect.gather [hbm4b:s5+s6], $0x40, s2, s6, $0xb8;
	[tilespmem:$0x8200] =	vst v63  }
0x28: {  	_ = 	snop  }
0x29: {  	[tilespmem:s8], [sflag:$0x1] =	stream.indirect.gather [hbm4b:s5+s6], $0x40, s6, s6, $0xb8;
	[tilespmem:$0x8200] =	vst v63  }
0x2a: {  	_ = 	snop  }
0x2b: {  	[tilespmem:s10], [sflag:$0x1] =	stream.indirect.gather [hbm4b:s5+s6], $0x40, s9, s6, $0xb8;
	[tilespmem:$0x8200] =	vst v63  }
0x2c: {  	_ = 	snop  }
0x2d: {  	[tilespmem:s13], [sflag:$0x1] =	stream.indirect.gather [hbm4b:s5+s6], $0x40, s12, s6, $0xb8;
	[tilespmem:$0x8200] =	vst v63  }
0x2e: {  	_ =	swait.ge [sflag:s11], $0x2000  }
0x2f: {  	[sflag:s11] =	ssyncset.done $0x0  }
0x30: {  	[sflag:s11] =	ssyncadd.s32 $0xFFFFE000  }
0x31: {  	_ =	swait.ge [sflag:s11], $0x2000  }
0x32: {  	[sflag:s11] =	ssyncset.done $0x0  }
0x33: {  	[sflag:s11] =	ssyncadd.s32 $0xFFFFE000  }
0x34: {  	_ =	swait.ge [sflag:s11], $0x2000  }
0x35: {  	[sflag:s11] =	ssyncset.done $0x0  }
0x36: {  	[sflag:s11] =	ssyncadd.s32 $0xFFFFE000  }
0x37: {  	_ =	swait.ge [sflag:s11], $0x2000  }
.Ltmp1:
0x38: {  	[sflag:s11] =	ssyncset.done $0x0;
	(pc) =	sbr.rel @p0 .LBB2_1-.Ltmp1, $4  }
0x39: {  	[sflag:s11] =	ssyncadd.s32 $0xFFFFE000  }
0x3a: {  	[hbm4b:s14+s2] =	stream.linear.scatter [tilespmem:s7], [sflag:$0x2], $0x8000, $0x38;
	[tilespmem:$0x8200] =	vst v63  }
0x3b: {  	_ =	swait.ge [sflag:s3], $0x8000  }
0x3c: {  	[sflag:s3] =	ssyncset.done $0x0  }
.LBB2_2:
0x3d: {  	[sflag:s3] =	ssyncadd.s32 $0xFFFF8000  }
0x3e: {  	_ =	sfence.sel $0x180000  }
0x3f: {  	[bflag:$0x0] =	sbarrier.arrive $0xFFFF  }
0x40: {  	p0 =	sne.s32 s0, $0x0;
	_ =	strace $0x90000047  }
0x41: {  	s0 =	sadd.s32 @!p0 $0x100000, s1;
	[bflag:$0x2] =	sbarrier.arrive $0xFFFF  }
0x42: {  	[sflag:s0] =	ssyncadd.tile.s32 @!p0 $0x1;
	_ =	shalt  }
.Lfunc_end2:
_tile_overlayer_lowered:
.L_overlay_start_2:
0x43: {  	(tag) =	ssettag $0x2  }
0x44: {  	s0 =	rddreg [dreg:$0x0];
	s2 =	stileid.u32  }
0x45: {  	s1 =	rddreg [dreg:$0x1];
	p0 =	sne.s32 s2, $0x0  }
0x46: {  	s3 =	rddreg [dreg:$0x2];
	[bflag:$0x3] =	sbarrier.arrive $0xFFFF;
	s2 =	simm.s32 @!p0 $0x1C02  }
0x47: {  	[timem:s3], [sflag:s2] =	dma.local @!p0 [hbm:s0], s1  }
0x48: {  	s0 =	simm.s32 @!p0 $0x2  }
0x49: {  	_ =	swait.ge @!p0 [sflag:s0], s1  }
0x4a: {  	s1 =	ssub.s32 @!p0 $0x0, s1;
	[sflag:s0] =	ssyncset.done @!p0 $0x0  }
0x4b: {  	[sflag:s0] =	ssyncadd.s32 @!p0 s1  }
0x4c: {  	[bflag:$0x3] =	sbarrier.arrive $0xFFFF  }
0x4d: {  	_ =	shalt  }

</sc_bundles>
